<compile_context>
chip_gen: v7x
topology: tpu7x:2x2x1
jax: 0.10.2.dev20260603
libtpu: 0.0.44.dev20260713+nightly
codegen_flags: <defaults>
</compile_context>

<pallas_src>
import functools

import jax
import jax.numpy as jnp
from jax import lax
from jax.experimental import pallas as pl
from jax.experimental.pallas import tpu as pltpu
from jax.experimental.pallas import tpu_sc as plsc

_B = 16384
_F = 26
_D = 16
_IN = _F * _D
_DOM = 4
_TOTAL = _B * _F

_VB = 65536
_V = 1000000
_TR_GRID = -(-_V // _VB)
_V_PAD = _TR_GRID * _VB
_RB = _VB * _D // 128


def _tr_body(in_ref, out_ref):
    x = in_ref[...]
    for g8 in range(_VB // 1024):
        w = jnp.concatenate(
            [x[:, (g8 * 8 + k) * 128:(g8 * 8 + k + 1) * 128]
             for k in range(8)], axis=0)
        out_ref[pl.ds(g8 * 128, 128), :] = w.T


_tr_table = pl.pallas_call(
    _tr_body,
    grid=(_TR_GRID,),
    in_specs=[pl.BlockSpec((_D, _VB), lambda i: (0, i))],
    out_specs=pl.BlockSpec((_RB, 128), lambda i: (i, 0)),
    out_shape=jax.ShapeDtypeStruct((_V_PAD * _D // 128, 128), jnp.float32),
    compiler_params=pltpu.CompilerParams(
        dimension_semantics=("arbitrary",)),
)


_VB_BITS = _VB.bit_length() - 1


def _permute_idx(idx):
    blk = idx >> _VB_BITS
    vb = idx & (_VB - 1)
    g8 = vb >> 10
    k = (vb >> 7) & 7
    c = vb & 127
    return (blk << _VB_BITS) + (g8 << 10) + (c << 3) + k


_NC = 2
_NS = 16
_NW = _NC * _NS
_PER_W = _TOTAL // _NW
_NCH = 8
_CH = _PER_W // _NCH

@functools.cache
def _make_sc_gather():
    mesh = plsc.VectorSubcoreMesh(core_axis_name="c", subcore_axis_name="s")

    @functools.partial(
        pl.kernel,
        out_type=jax.ShapeDtypeStruct((_TOTAL, _D), jnp.float32),
        mesh=mesh,
        scratch_types=[
            pltpu.VMEM((_PER_W,), jnp.int32),
            pltpu.VMEM((_CH, _D), jnp.float32),
            pltpu.VMEM((_CH, _D), jnp.float32),
            pltpu.SemaphoreType.DMA,
            pltpu.SemaphoreType.DMA,
            pltpu.SemaphoreType.DMA,
            pltpu.SemaphoreType.DMA,
        ],
        compiler_params=pltpu.CompilerParams(use_tc_tiling_on_sc=False),
    )
    def _sc_gather(table_hbm, idx_hbm, out_hbm, idx_v, rows0, rows1,
                   g0, g1, s0, s1):
        wid = lax.axis_index("s") * _NC + lax.axis_index("c")
        base = wid * _PER_W
        pltpu.sync_copy(idx_hbm.at[pl.ds(base, _PER_W)], idx_v)
        rows = (rows0, rows1)
        gsem = (g0, g1)
        ssem = (s0, s1)
        cps = [None, None]
        sps = [None, None]
        cps[0] = pltpu.async_copy(
            table_hbm.at[idx_v.at[pl.ds(0, _CH)]], rows[0], gsem[0])
        for c in range(_NCH):
            p = c & 1
            q = p ^ 1
            cps[p].wait()
            sps[p] = pltpu.async_copy(
                rows[p], out_hbm.at[pl.ds(base + c * _CH, _CH)], ssem[p])
            if c + 1 < _NCH:
                if c >= 1:
                    sps[q].wait()
                cps[q] = pltpu.async_copy(
                    table_hbm.at[idx_v.at[pl.ds((c + 1) * _CH, _CH)]],
                    rows[q], gsem[q])
        sps[(_NCH - 2) & 1].wait()
        sps[(_NCH - 1) & 1].wait()

    return _sc_gather


_BT = 2048
_GRID = _B // _BT


def _tc_body(emb_ref, dom_ref, lg_ref, lb_ref, W0_ref, b0_ref, W1_ref, b1_ref,
             de_ref, Wd_ref, bd_ref, Wg_ref, bg_ref, T0_ref, bt0_ref,
             T1_ref, bt1_ref, T2_ref, bt2_ref, out_ref):
    f32 = jnp.float32
    emb = emb_ref[...]
    mu = jnp.mean(emb, axis=-1, keepdims=True)
    var = jnp.mean((emb - mu) ** 2, axis=-1, keepdims=True)
    h = (emb - mu) * lax.rsqrt(var + 1e-5) * lg_ref[...] + lb_ref[...]
    h = jnp.maximum(jnp.dot(h, W0_ref[...], preferred_element_type=f32)
                    + b0_ref[...], 0.0)
    h = jnp.maximum(jnp.dot(h, W1_ref[...], preferred_element_type=f32)
                    + b1_ref[...], 0.0)
    graw = jnp.dot(de_ref[...], Wd_ref[...], preferred_element_type=f32) \
        + bd_ref[...]
    gl = jnp.dot(graw, Wg_ref[...], preferred_element_type=f32) + bg_ref[...]
    gate = graw * jax.nn.sigmoid(gl)
    dom = dom_ref[...]
    onehot = (dom[:, None] ==
              lax.broadcasted_iota(jnp.int32, (1, _DOM), 1)).astype(f32)
    pers = h * jnp.dot(onehot, gate, preferred_element_type=f32)
    t = jnp.maximum(jnp.dot(pers, T0_ref[...], preferred_element_type=f32)
                    + bt0_ref[...], 0.0)
    t = jnp.maximum(jnp.dot(t, T1_ref[...], preferred_element_type=f32)
                    + bt1_ref[...], 0.0)
    logits = jnp.sum(t * T2_ref[...], axis=-1) + bt2_ref[0, 0]
    out_ref[...] = jax.nn.sigmoid(logits)


def _full(shape):
    return pl.BlockSpec(shape, lambda i: tuple(0 for _ in shape))


_tc_forward = pl.pallas_call(
    _tc_body,
    grid=(_GRID,),
    in_specs=[
        pl.BlockSpec((_BT, _IN), lambda i: (i, 0)),
        pl.BlockSpec((_BT,), lambda i: (i,)),
        _full((1, _IN)),
        _full((1, _IN)),
        _full((_IN, 512)),
        _full((1, 512)),
        _full((512, 256)),
        _full((1, 256)),
        _full((_DOM, _D)),
        _full((_D, 256)),
        _full((1, 256)),
        _full((256, 256)),
        _full((1, 256)),
        _full((256, 128)),
        _full((1, 128)),
        _full((128, 64)),
        _full((1, 64)),
        _full((1, 64)),
        pl.BlockSpec(memory_space=pltpu.SMEM),
    ],
    out_specs=pl.BlockSpec((_BT,), lambda i: (i,)),
    out_shape=jax.ShapeDtypeStruct((_B,), jnp.float32),
    compiler_params=pltpu.CompilerParams(
        dimension_semantics=("parallel",)),
)


def kernel(x, domain_ids, shared_table, prior_table, ln_gamma, ln_beta,
           W0, b0, W1, b1, dom_emb, Wd, bd, Wg, bg,
           T0, bt0, T1, bt1, T2, bt2):
    idx = _permute_idx(x.reshape(_TOTAL).astype(jnp.int32))
    table_lin = _tr_table(shared_table.T).reshape(_V_PAD, _D)
    rows = _make_sc_gather()(table_lin, idx)
    emb = rows.reshape(_B, _IN)
    return _tc_forward(
        emb, domain_ids.astype(jnp.int32),
        ln_gamma.reshape(1, _IN), ln_beta.reshape(1, _IN),
        W0, b0.reshape(1, 512), W1, b1.reshape(1, 256),
        dom_emb, Wd, bd.reshape(1, 256), Wg, bg.reshape(1, 256),
        T0, bt0.reshape(1, 128), T1, bt1.reshape(1, 64),
        T2.reshape(1, 64), bt2.reshape(1, 1))

# --- scband reference (transcript-rebuilt; emitter-appended) ---
"""Pipeline reference for scband-pepnet-single-task-86955907875177 (READ-ONLY COPY).

The authoritative reference and input builder live on the scoring server;
editing this copy changes nothing except your own understanding.
"""

import jax, jax.numpy as jnp
import numpy as np

B = 16384
F = 26
V = 1000000
D = 16
DOM = 4
IN = F * D
SCALE = 1.0


def _init(k, shape, scale):
    return jax.random.normal(k, shape, dtype=jnp.float32) * scale


def setup_inputs(seed: int = 0):
    key = jax.random.key(seed)
    ks = jax.random.split(key, 16)
    x = jax.random.randint(ks[0], (B, F), 0, V)
    domain_ids = jax.random.randint(ks[1], (B,), 0, DOM)
    shared_table = _init(ks[2], (V, D), 0.1)
    prior_table = _init(ks[3], (V, D), 0.1)
    ln_gamma = jnp.ones((IN,), dtype=jnp.float32)
    ln_beta = jnp.zeros((IN,), dtype=jnp.float32)
    W0 = _init(ks[4], (IN, 512), 0.05)
    b0 = jnp.zeros((512,), dtype=jnp.float32)
    W1 = _init(ks[5], (512, 256), 0.05)
    b1 = jnp.zeros((256,), dtype=jnp.float32)
    dom_emb = _init(ks[6], (DOM, D), 0.1)
    Wd = _init(ks[7], (D, 256), 0.05)
    bd = jnp.zeros((256,), dtype=jnp.float32)
    Wg = _init(ks[8], (256, 256), 0.05)
    bg = jnp.zeros((256,), dtype=jnp.float32)
    T0 = _init(ks[9], (256, 128), 0.05)
    bt0 = jnp.zeros((128,), dtype=jnp.float32)
    T1 = _init(ks[10], (128, 64), 0.05)
    bt1 = jnp.zeros((64,), dtype=jnp.float32)
    T2 = _init(ks[11], (64, 1), 0.05)
    bt2 = jnp.zeros((1,), dtype=jnp.float32)
    return {"x": x, "domain_ids": domain_ids, "shared_table": shared_table,
            "prior_table": prior_table, "ln_gamma": ln_gamma, "ln_beta": ln_beta,
            "W0": W0, "b0": b0, "W1": W1, "b1": b1, "dom_emb": dom_emb,
            "Wd": Wd, "bd": bd, "Wg": Wg, "bg": bg,
            "T0": T0, "bt0": bt0, "T1": T1, "bt1": bt1, "T2": T2, "bt2": bt2}


def reference(x, domain_ids, shared_table, prior_table, ln_gamma, ln_beta,
              W0, b0, W1, b1, dom_emb, Wd, bd, Wg, bg,
              T0, bt0, T1, bt1, T2, bt2):
    # shared embedding: per-field lookup then concat (EmbeddingSumConcat)
    emb = jnp.take(shared_table, x, axis=0).reshape(B, IN)
    # ms.nn.Normalization ~ layer normalization over feature dim
    mu = emb.mean(axis=-1, keepdims=True)
    var = ((emb - mu) ** 2).mean(axis=-1, keepdims=True)
    h = (emb - mu) / jnp.sqrt(var + 1e-5) * ln_gamma + ln_beta
    # shared bottom MLP [512, 256]
    h = jax.nn.relu(h @ W0 + b0)
    h = jax.nn.relu(h @ W1 + b1)
    # prior embedding (computed in original forward but unused downstream)
    prior = jnp.take(prior_table, x, axis=0).reshape(B, IN)
    _ = prior
    # EPNet: domain embedding -> gate
    de = jnp.take(dom_emb, domain_ids, axis=0)
    graw = de @ Wd + bd
    gate_logits = (graw @ Wg + bg) * SCALE
    gate_weights = graw * jax.nn.sigmoid(gate_logits)
    pers = h * gate_weights
    # task tower [128, 64, 1]
    t = jax.nn.relu(pers @ T0 + bt0)
    t = jax.nn.relu(t @ T1 + bt1)
    logits = t @ T2 + bt2
    return jax.nn.sigmoid(logits).squeeze(-1)

if __name__ == "__main__":
    import jax
    _d = setup_inputs()
    print(jax.jit(kernel)(*tuple(_d.values())))

</pallas_src>

<mosaic_0001>
#map = affine_map<(d0, d1) -> (0, 0)>
#map1 = affine_map<(d0, d1) -> (0)>
module attributes {stable_mosaic.version = 14 : i64} {
  func.func @_sc_gather(%arg0: i32, %arg1: i32, %arg2: memref<1048576x16xf32, #tpu.memory_space<hbm>>, %arg3: memref<425984xi32, #tpu.memory_space<hbm>>, %arg4: memref<425984x16xf32, #tpu.memory_space<hbm>>, %arg5: memref<13312xi32, #tpu.memory_space<vmem>>, %arg6: memref<1664x16xf32, #tpu.memory_space<vmem>>, %arg7: memref<1664x16xf32, #tpu.memory_space<vmem>>, %arg8: memref<!tpu.dma_semaphore, #tpu.memory_space<semaphore_mem>>, %arg9: memref<!tpu.dma_semaphore, #tpu.memory_space<semaphore_mem>>, %arg10: memref<!tpu.dma_semaphore, #tpu.memory_space<semaphore_mem>>, %arg11: memref<!tpu.dma_semaphore, #tpu.memory_space<semaphore_mem>>) attributes {dimension_semantics = [#tpu.dimension_semantics<core_parallel>, #tpu.dimension_semantics<subcore_parallel>], iteration_bounds = array<i64: 2, 16>, scalar_prefetch = 0 : i64, scratch_operands = 7 : i64, tpu.core_type = #tpu.core_type<sc_vector_subcore>, window_params = [{transform_indices = #map}, {transform_indices = #map1}, {transform_indices = #map}]} {
    %mul3A = arith.constant 2 : i32
    %mul3A_0 = arith.muli %arg1, %mul3A : i32
    %add3A = arith.addi %mul3A_0, %arg0 : i32
    %mul3A_1 = arith.constant 13312 : i32
    %mul3A_2 = arith.muli %add3A, %mul3A_1 : i32
    "tpu.region"() ({
      %run_scoped3A = tpu.sem_alloc : memref<!tpu.dma_semaphore, #tpu.memory_space<semaphore_mem>>
      %dma_start3A_161 = tpu.memref_slice %arg3[%mul3A_2] : memref<425984xi32, #tpu.memory_space<hbm>> -> memref<13312xi32, #tpu.memory_space<hbm>>
      %dma_start3A_162 = tpu.memref_slice %arg3[%mul3A_2] : memref<425984xi32, #tpu.memory_space<hbm>> -> memref<13312xi32, #tpu.memory_space<hbm>>
      tpu.enqueue_dma source(%dma_start3A_162 : memref<13312xi32, #tpu.memory_space<hbm>>) target(%arg5 : memref<13312xi32, #tpu.memory_space<vmem>>) target_semaphore(%run_scoped3A : memref<!tpu.dma_semaphore, #tpu.memory_space<semaphore_mem>>)
      %dma_wait3A_163 = tpu.memref_slice %arg3[%mul3A_2] : memref<425984xi32, #tpu.memory_space<hbm>> -> memref<13312xi32, #tpu.memory_space<hbm>>
      %dma_wait3A_164 = tpu.memref_slice %arg3[%mul3A_2] : memref<425984xi32, #tpu.memory_space<hbm>> -> memref<13312xi32, #tpu.memory_space<hbm>>
      tpu.wait_dma2 semaphore(%run_scoped3A : memref<!tpu.dma_semaphore, #tpu.memory_space<semaphore_mem>>) src(%dma_wait3A_164 : memref<13312xi32, #tpu.memory_space<hbm>>) dst(%arg5 : memref<13312xi32, #tpu.memory_space<vmem>>)
      tpu.yield
    }) : () -> ()
    %dma_start3A = arith.constant 0 : i32
    %dma_start3A_3 = tpu.memref_slice %arg5[%dma_start3A] : memref<13312xi32, #tpu.memory_space<vmem>> -> memref<1664xi32, #tpu.memory_space<vmem>>
    %dma_start3A_4 = arith.constant 0 : i32
    %dma_start3A_5 = arith.constant 0 : i32
    %dma_start3A_6 = tpu.memref_slice %arg2[%dma_start3A_4, %dma_start3A_5] : memref<1048576x16xf32, #tpu.memory_space<hbm>> -> memref<1048576x16xf32, #tpu.memory_space<hbm>>
    tpu.enqueue_indirect_dma source(%dma_start3A_6 : memref<1048576x16xf32, #tpu.memory_space<hbm>>) target(%arg6 : memref<1664x16xf32, #tpu.memory_space<vmem>>) offsets(%dma_start3A_3 : memref<1664xi32, #tpu.memory_space<vmem>>) semaphore(%arg8 : memref<!tpu.dma_semaphore, #tpu.memory_space<semaphore_mem>>)
    %dma_wait3A = arith.constant 0 : i32
    %dma_wait3A_7 = tpu.memref_slice %arg5[%dma_wait3A] : memref<13312xi32, #tpu.memory_space<vmem>> -> memref<1664xi32, #tpu.memory_space<vmem>>
    %dma_wait3A_8 = arith.constant 0 : i32
    %dma_wait3A_9 = arith.constant 0 : i32
    %dma_wait3A_10 = tpu.memref_slice %arg2[%dma_wait3A_8, %dma_wait3A_9] : memref<1048576x16xf32, #tpu.memory_space<hbm>> -> memref<1048576x16xf32, #tpu.memory_space<hbm>>
    tpu.wait_indirect_dma semaphore(%arg8 : memref<!tpu.dma_semaphore, #tpu.memory_space<semaphore_mem>>) src(%dma_wait3A_10 : memref<1048576x16xf32, #tpu.memory_space<hbm>>) dst(%arg6 : memref<1664x16xf32, #tpu.memory_space<vmem>>)
    %add3A_11 = arith.constant 0 : i32
    %add3A_12 = arith.addi %mul3A_2, %add3A_11 : i32
    %dma_start3A_13 = arith.constant 0 : i32
    %dma_start3A_14 = tpu.memref_slice %arg4[%add3A_12, %dma_start3A_13] : memref<425984x16xf32, #tpu.memory_space<hbm>> -> memref<1664x16xf32, #tpu.memory_space<hbm>>
    %dma_start3A_15 = arith.constant 0 : i32
    %dma_start3A_16 = tpu.memref_slice %arg4[%add3A_12, %dma_start3A_15] : memref<425984x16xf32, #tpu.memory_space<hbm>> -> memref<1664x16xf32, #tpu.memory_space<hbm>>
    tpu.enqueue_dma source(%arg6 : memref<1664x16xf32, #tpu.memory_space<vmem>>) target(%dma_start3A_16 : memref<1664x16xf32, #tpu.memory_space<hbm>>) target_semaphore(%arg10 : memref<!tpu.dma_semaphore, #tpu.memory_space<semaphore_mem>>)
    %dma_start3A_17 = arith.constant 1664 : i32
    %dma_start3A_18 = tpu.memref_slice %arg5[%dma_start3A_17] : memref<13312xi32, #tpu.memory_space<vmem>> -> memref<1664xi32, #tpu.memory_space<vmem>>
    %dma_start3A_19 = arith.constant 0 : i32
    %dma_start3A_20 = arith.constant 0 : i32
    %dma_start3A_21 = tpu.memref_slice %arg2[%dma_start3A_19, %dma_start3A_20] : memref<1048576x16xf32, #tpu.memory_space<hbm>> -> memref<1048576x16xf32, #tpu.memory_space<hbm>>
    tpu.enqueue_indirect_dma source(%dma_start3A_21 : memref<1048576x16xf32, #tpu.memory_space<hbm>>) target(%arg7 : memref<1664x16xf32, #tpu.memory_space<vmem>>) offsets(%dma_start3A_18 : memref<1664xi32, #tpu.memory_space<vmem>>) semaphore(%arg9 : memref<!tpu.dma_semaphore, #tpu.memory_space<semaphore_mem>>)
    %dma_wait3A_22 = arith.constant 1664 : i32
    %dma_wait3A_23 = tpu.memref_slice %arg5[%dma_wait3A_22] : memref<13312xi32, #tpu.memory_space<vmem>> -> memref<1664xi32, #tpu.memory_space<vmem>>
    %dma_wait3A_24 = arith.constant 0 : i32
    %dma_wait3A_25 = arith.constant 0 : i32
    %dma_wait3A_26 = tpu.memref_slice %arg2[%dma_wait3A_24, %dma_wait3A_25] : memref<1048576x16xf32, #tpu.memory_space<hbm>> -> memref<1048576x16xf32, #tpu.memory_space<hbm>>
    tpu.wait_indirect_dma semaphore(%arg9 : memref<!tpu.dma_semaphore, #tpu.memory_space<semaphore_mem>>) src(%dma_wait3A_26 : memref<1048576x16xf32, #tpu.memory_space<hbm>>) dst(%arg7 : memref<1664x16xf32, #tpu.memory_space<vmem>>)
    %add3A_27 = arith.constant 1664 : i32
    %add3A_28 = arith.addi %mul3A_2, %add3A_27 : i32
    %dma_start3A_29 = arith.constant 0 : i32
    %dma_start3A_30 = tpu.memref_slice %arg4[%add3A_28, %dma_start3A_29] : memref<425984x16xf32, #tpu.memory_space<hbm>> -> memref<1664x16xf32, #tpu.memory_space<hbm>>
    %dma_start3A_31 = arith.constant 0 : i32
    %dma_start3A_32 = tpu.memref_slice %arg4[%add3A_28, %dma_start3A_31] : memref<425984x16xf32, #tpu.memory_space<hbm>> -> memref<1664x16xf32, #tpu.memory_space<hbm>>
    tpu.enqueue_dma source(%arg7 : memref<1664x16xf32, #tpu.memory_space<vmem>>) target(%dma_start3A_32 : memref<1664x16xf32, #tpu.memory_space<hbm>>) target_semaphore(%arg11 : memref<!tpu.dma_semaphore, #tpu.memory_space<semaphore_mem>>)
    %dma_wait3A_33 = arith.constant 0 : i32
    %dma_wait3A_34 = tpu.memref_slice %arg4[%add3A_12, %dma_wait3A_33] : memref<425984x16xf32, #tpu.memory_space<hbm>> -> memref<1664x16xf32, #tpu.memory_space<hbm>>
    %dma_wait3A_35 = arith.constant 0 : i32
    %dma_wait3A_36 = tpu.memref_slice %arg4[%add3A_12, %dma_wait3A_35] : memref<425984x16xf32, #tpu.memory_space<hbm>> -> memref<1664x16xf32, #tpu.memory_space<hbm>>
    tpu.wait_dma2 semaphore(%arg10 : memref<!tpu.dma_semaphore, #tpu.memory_space<semaphore_mem>>) src(%arg6 : memref<1664x16xf32, #tpu.memory_space<vmem>>) dst(%dma_wait3A_36 : memref<1664x16xf32, #tpu.memory_space<hbm>>)
    %dma_start3A_37 = arith.constant 3328 : i32
    %dma_start3A_38 = tpu.memref_slice %arg5[%dma_start3A_37] : memref<13312xi32, #tpu.memory_space<vmem>> -> memref<1664xi32, #tpu.memory_space<vmem>>
    %dma_start3A_39 = arith.constant 0 : i32
    %dma_start3A_40 = arith.constant 0 : i32
    %dma_start3A_41 = tpu.memref_slice %arg2[%dma_start3A_39, %dma_start3A_40] : memref<1048576x16xf32, #tpu.memory_space<hbm>> -> memref<1048576x16xf32, #tpu.memory_space<hbm>>
    tpu.enqueue_indirect_dma source(%dma_start3A_41 : memref<1048576x16xf32, #tpu.memory_space<hbm>>) target(%arg6 : memref<1664x16xf32, #tpu.memory_space<vmem>>) offsets(%dma_start3A_38 : memref<1664xi32, #tpu.memory_space<vmem>>) semaphore(%arg8 : memref<!tpu.dma_semaphore, #tpu.memory_space<semaphore_mem>>)
    %dma_wait3A_42 = arith.constant 3328 : i32
    %dma_wait3A_43 = tpu.memref_slice %arg5[%dma_wait3A_42] : memref<13312xi32, #tpu.memory_space<vmem>> -> memref<1664xi32, #tpu.memory_space<vmem>>
    %dma_wait3A_44 = arith.constant 0 : i32
    %dma_wait3A_45 = arith.constant 0 : i32
    %dma_wait3A_46 = tpu.memref_slice %arg2[%dma_wait3A_44, %dma_wait3A_45] : memref<1048576x16xf32, #tpu.memory_space<hbm>> -> memref<1048576x16xf32, #tpu.memory_space<hbm>>
    tpu.wait_indirect_dma semaphore(%arg8 : memref<!tpu.dma_semaphore, #tpu.memory_space<semaphore_mem>>) src(%dma_wait3A_46 : memref<1048576x16xf32, #tpu.memory_space<hbm>>) dst(%arg6 : memref<1664x16xf32, #tpu.memory_space<vmem>>)
    %add3A_47 = arith.constant 3328 : i32
    %add3A_48 = arith.addi %mul3A_2, %add3A_47 : i32
    %dma_start3A_49 = arith.constant 0 : i32
    %dma_start3A_50 = tpu.memref_slice %arg4[%add3A_48, %dma_start3A_49] : memref<425984x16xf32, #tpu.memory_space<hbm>> -> memref<1664x16xf32, #tpu.memory_space<hbm>>
    %dma_start3A_51 = arith.constant 0 : i32
    %dma_start3A_52 = tpu.memref_slice %arg4[%add3A_48, %dma_start3A_51] : memref<425984x16xf32, #tpu.memory_space<hbm>> -> memref<1664x16xf32, #tpu.memory_space<hbm>>
    tpu.enqueue_dma source(%arg6 : memref<1664x16xf32, #tpu.memory_space<vmem>>) target(%dma_start3A_52 : memref<1664x16xf32, #tpu.memory_space<hbm>>) target_semaphore(%arg10 : memref<!tpu.dma_semaphore, #tpu.memory_space<semaphore_mem>>)
    %dma_wait3A_53 = arith.constant 0 : i32
    %dma_wait3A_54 = tpu.memref_slice %arg4[%add3A_28, %dma_wait3A_53] : memref<425984x16xf32, #tpu.memory_space<hbm>> -> memref<1664x16xf32, #tpu.memory_space<hbm>>
    %dma_wait3A_55 = arith.constant 0 : i32
    %dma_wait3A_56 = tpu.memref_slice %arg4[%add3A_28, %dma_wait3A_55] : memref<425984x16xf32, #tpu.memory_space<hbm>> -> memref<1664x16xf32, #tpu.memory_space<hbm>>
    tpu.wait_dma2 semaphore(%arg11 : memref<!tpu.dma_semaphore, #tpu.memory_space<semaphore_mem>>) src(%arg7 : memref<1664x16xf32, #tpu.memory_space<vmem>>) dst(%dma_wait3A_56 : memref<1664x16xf32, #tpu.memory_space<hbm>>)
    %dma_start3A_57 = arith.constant 4992 : i32
    %dma_start3A_58 = tpu.memref_slice %arg5[%dma_start3A_57] : memref<13312xi32, #tpu.memory_space<vmem>> -> memref<1664xi32, #tpu.memory_space<vmem>>
    %dma_start3A_59 = arith.constant 0 : i32
    %dma_start3A_60 = arith.constant 0 : i32
    %dma_start3A_61 = tpu.memref_slice %arg2[%dma_start3A_59, %dma_start3A_60] : memref<1048576x16xf32, #tpu.memory_space<hbm>> -> memref<1048576x16xf32, #tpu.memory_space<hbm>>
    tpu.enqueue_indirect_dma source(%dma_start3A_61 : memref<1048576x16xf32, #tpu.memory_space<hbm>>) target(%arg7 : memref<1664x16xf32, #tpu.memory_space<vmem>>) offsets(%dma_start3A_58 : memref<1664xi32, #tpu.memory_space<vmem>>) semaphore(%arg9 : memref<!tpu.dma_semaphore, #tpu.memory_space<semaphore_mem>>)
    %dma_wait3A_62 = arith.constant 4992 : i32
    %dma_wait3A_63 = tpu.memref_slice %arg5[%dma_wait3A_62] : memref<13312xi32, #tpu.memory_space<vmem>> -> memref<1664xi32, #tpu.memory_space<vmem>>
    %dma_wait3A_64 = arith.constant 0 : i32
    %dma_wait3A_65 = arith.constant 0 : i32
    %dma_wait3A_66 = tpu.memref_slice %arg2[%dma_wait3A_64, %dma_wait3A_65] : memref<1048576x16xf32, #tpu.memory_space<hbm>> -> memref<1048576x16xf32, #tpu.memory_space<hbm>>
    tpu.wait_indirect_dma semaphore(%arg9 : memref<!tpu.dma_semaphore, #tpu.memory_space<semaphore_mem>>) src(%dma_wait3A_66 : memref<1048576x16xf32, #tpu.memory_space<hbm>>) dst(%arg7 : memref<1664x16xf32, #tpu.memory_space<vmem>>)
    %add3A_67 = arith.constant 4992 : i32
    %add3A_68 = arith.addi %mul3A_2, %add3A_67 : i32
    %dma_start3A_69 = arith.constant 0 : i32
    %dma_start3A_70 = tpu.memref_slice %arg4[%add3A_68, %dma_start3A_69] : memref<425984x16xf32, #tpu.memory_space<hbm>> -> memref<1664x16xf32, #tpu.memory_space<hbm>>
    %dma_start3A_71 = arith.constant 0 : i32
    %dma_start3A_72 = tpu.memref_slice %arg4[%add3A_68, %dma_start3A_71] : memref<425984x16xf32, #tpu.memory_space<hbm>> -> memref<1664x16xf32, #tpu.memory_space<hbm>>
    tpu.enqueue_dma source(%arg7 : memref<1664x16xf32, #tpu.memory_space<vmem>>) target(%dma_start3A_72 : memref<1664x16xf32, #tpu.memory_space<hbm>>) target_semaphore(%arg11 : memref<!tpu.dma_semaphore, #tpu.memory_space<semaphore_mem>>)
    %dma_wait3A_73 = arith.constant 0 : i32
    %dma_wait3A_74 = tpu.memref_slice %arg4[%add3A_48, %dma_wait3A_73] : memref<425984x16xf32, #tpu.memory_space<hbm>> -> memref<1664x16xf32, #tpu.memory_space<hbm>>
    %dma_wait3A_75 = arith.constant 0 : i32
    %dma_wait3A_76 = tpu.memref_slice %arg4[%add3A_48, %dma_wait3A_75] : memref<425984x16xf32, #tpu.memory_space<hbm>> -> memref<1664x16xf32, #tpu.memory_space<hbm>>
    tpu.wait_dma2 semaphore(%arg10 : memref<!tpu.dma_semaphore, #tpu.memory_space<semaphore_mem>>) src(%arg6 : memref<1664x16xf32, #tpu.memory_space<vmem>>) dst(%dma_wait3A_76 : memref<1664x16xf32, #tpu.memory_space<hbm>>)
    %dma_start3A_77 = arith.constant 6656 : i32
    %dma_start3A_78 = tpu.memref_slice %arg5[%dma_start3A_77] : memref<13312xi32, #tpu.memory_space<vmem>> -> memref<1664xi32, #tpu.memory_space<vmem>>
    %dma_start3A_79 = arith.constant 0 : i32
    %dma_start3A_80 = arith.constant 0 : i32
    %dma_start3A_81 = tpu.memref_slice %arg2[%dma_start3A_79, %dma_start3A_80] : memref<1048576x16xf32, #tpu.memory_space<hbm>> -> memref<1048576x16xf32, #tpu.memory_space<hbm>>
    tpu.enqueue_indirect_dma source(%dma_start3A_81 : memref<1048576x16xf32, #tpu.memory_space<hbm>>) target(%arg6 : memref<1664x16xf32, #tpu.memory_space<vmem>>) offsets(%dma_start3A_78 : memref<1664xi32, #tpu.memory_space<vmem>>) semaphore(%arg8 : memref<!tpu.dma_semaphore, #tpu.memory_space<semaphore_mem>>)
    %dma_wait3A_82 = arith.constant 6656 : i32
    %dma_wait3A_83 = tpu.memref_slice %arg5[%dma_wait3A_82] : memref<13312xi32, #tpu.memory_space<vmem>> -> memref<1664xi32, #tpu.memory_space<vmem>>
    %dma_wait3A_84 = arith.constant 0 : i32
    %dma_wait3A_85 = arith.constant 0 : i32
    %dma_wait3A_86 = tpu.memref_slice %arg2[%dma_wait3A_84, %dma_wait3A_85] : memref<1048576x16xf32, #tpu.memory_space<hbm>> -> memref<1048576x16xf32, #tpu.memory_space<hbm>>
    tpu.wait_indirect_dma semaphore(%arg8 : memref<!tpu.dma_semaphore, #tpu.memory_space<semaphore_mem>>) src(%dma_wait3A_86 : memref<1048576x16xf32, #tpu.memory_space<hbm>>) dst(%arg6 : memref<1664x16xf32, #tpu.memory_space<vmem>>)
    %add3A_87 = arith.constant 6656 : i32
    %add3A_88 = arith.addi %mul3A_2, %add3A_87 : i32
    %dma_start3A_89 = arith.constant 0 : i32
    %dma_start3A_90 = tpu.memref_slice %arg4[%add3A_88, %dma_start3A_89] : memref<425984x16xf32, #tpu.memory_space<hbm>> -> memref<1664x16xf32, #tpu.memory_space<hbm>>
    %dma_start3A_91 = arith.constant 0 : i32
    %dma_start3A_92 = tpu.memref_slice %arg4[%add3A_88, %dma_start3A_91] : memref<425984x16xf32, #tpu.memory_space<hbm>> -> memref<1664x16xf32, #tpu.memory_space<hbm>>
    tpu.enqueue_dma source(%arg6 : memref<1664x16xf32, #tpu.memory_space<vmem>>) target(%dma_start3A_92 : memref<1664x16xf32, #tpu.memory_space<hbm>>) target_semaphore(%arg10 : memref<!tpu.dma_semaphore, #tpu.memory_space<semaphore_mem>>)
    %dma_wait3A_93 = arith.constant 0 : i32
    %dma_wait3A_94 = tpu.memref_slice %arg4[%add3A_68, %dma_wait3A_93] : memref<425984x16xf32, #tpu.memory_space<hbm>> -> memref<1664x16xf32, #tpu.memory_space<hbm>>
    %dma_wait3A_95 = arith.constant 0 : i32
    %dma_wait3A_96 = tpu.memref_slice %arg4[%add3A_68, %dma_wait3A_95] : memref<425984x16xf32, #tpu.memory_space<hbm>> -> memref<1664x16xf32, #tpu.memory_space<hbm>>
    tpu.wait_dma2 semaphore(%arg11 : memref<!tpu.dma_semaphore, #tpu.memory_space<semaphore_mem>>) src(%arg7 : memref<1664x16xf32, #tpu.memory_space<vmem>>) dst(%dma_wait3A_96 : memref<1664x16xf32, #tpu.memory_space<hbm>>)
    %dma_start3A_97 = arith.constant 8320 : i32
    %dma_start3A_98 = tpu.memref_slice %arg5[%dma_start3A_97] : memref<13312xi32, #tpu.memory_space<vmem>> -> memref<1664xi32, #tpu.memory_space<vmem>>
    %dma_start3A_99 = arith.constant 0 : i32
    %dma_start3A_100 = arith.constant 0 : i32
    %dma_start3A_101 = tpu.memref_slice %arg2[%dma_start3A_99, %dma_start3A_100] : memref<1048576x16xf32, #tpu.memory_space<hbm>> -> memref<1048576x16xf32, #tpu.memory_space<hbm>>
    tpu.enqueue_indirect_dma source(%dma_start3A_101 : memref<1048576x16xf32, #tpu.memory_space<hbm>>) target(%arg7 : memref<1664x16xf32, #tpu.memory_space<vmem>>) offsets(%dma_start3A_98 : memref<1664xi32, #tpu.memory_space<vmem>>) semaphore(%arg9 : memref<!tpu.dma_semaphore, #tpu.memory_space<semaphore_mem>>)
    %dma_wait3A_102 = arith.constant 8320 : i32
    %dma_wait3A_103 = tpu.memref_slice %arg5[%dma_wait3A_102] : memref<13312xi32, #tpu.memory_space<vmem>> -> memref<1664xi32, #tpu.memory_space<vmem>>
    %dma_wait3A_104 = arith.constant 0 : i32
    %dma_wait3A_105 = arith.constant 0 : i32
    %dma_wait3A_106 = tpu.memref_slice %arg2[%dma_wait3A_104, %dma_wait3A_105] : memref<1048576x16xf32, #tpu.memory_space<hbm>> -> memref<1048576x16xf32, #tpu.memory_space<hbm>>
    tpu.wait_indirect_dma semaphore(%arg9 : memref<!tpu.dma_semaphore, #tpu.memory_space<semaphore_mem>>) src(%dma_wait3A_106 : memref<1048576x16xf32, #tpu.memory_space<hbm>>) dst(%arg7 : memref<1664x16xf32, #tpu.memory_space<vmem>>)
    %add3A_107 = arith.constant 8320 : i32
    %add3A_108 = arith.addi %mul3A_2, %add3A_107 : i32
    %dma_start3A_109 = arith.constant 0 : i32
    %dma_start3A_110 = tpu.memref_slice %arg4[%add3A_108, %dma_start3A_109] : memref<425984x16xf32, #tpu.memory_space<hbm>> -> memref<1664x16xf32, #tpu.memory_space<hbm>>
    %dma_start3A_111 = arith.constant 0 : i32
    %dma_start3A_112 = tpu.memref_slice %arg4[%add3A_108, %dma_start3A_111] : memref<425984x16xf32, #tpu.memory_space<hbm>> -> memref<1664x16xf32, #tpu.memory_space<hbm>>
    tpu.enqueue_dma source(%arg7 : memref<1664x16xf32, #tpu.memory_space<vmem>>) target(%dma_start3A_112 : memref<1664x16xf32, #tpu.memory_space<hbm>>) target_semaphore(%arg11 : memref<!tpu.dma_semaphore, #tpu.memory_space<semaphore_mem>>)
    %dma_wait3A_113 = arith.constant 0 : i32
    %dma_wait3A_114 = tpu.memref_slice %arg4[%add3A_88, %dma_wait3A_113] : memref<425984x16xf32, #tpu.memory_space<hbm>> -> memref<1664x16xf32, #tpu.memory_space<hbm>>
    %dma_wait3A_115 = arith.constant 0 : i32
    %dma_wait3A_116 = tpu.memref_slice %arg4[%add3A_88, %dma_wait3A_115] : memref<425984x16xf32, #tpu.memory_space<hbm>> -> memref<1664x16xf32, #tpu.memory_space<hbm>>
    tpu.wait_dma2 semaphore(%arg10 : memref<!tpu.dma_semaphore, #tpu.memory_space<semaphore_mem>>) src(%arg6 : memref<1664x16xf32, #tpu.memory_space<vmem>>) dst(%dma_wait3A_116 : memref<1664x16xf32, #tpu.memory_space<hbm>>)
    %dma_start3A_117 = arith.constant 9984 : i32
    %dma_start3A_118 = tpu.memref_slice %arg5[%dma_start3A_117] : memref<13312xi32, #tpu.memory_space<vmem>> -> memref<1664xi32, #tpu.memory_space<vmem>>
    %dma_start3A_119 = arith.constant 0 : i32
    %dma_start3A_120 = arith.constant 0 : i32
    %dma_start3A_121 = tpu.memref_slice %arg2[%dma_start3A_119, %dma_start3A_120] : memref<1048576x16xf32, #tpu.memory_space<hbm>> -> memref<1048576x16xf32, #tpu.memory_space<hbm>>
    tpu.enqueue_indirect_dma source(%dma_start3A_121 : memref<1048576x16xf32, #tpu.memory_space<hbm>>) target(%arg6 : memref<1664x16xf32, #tpu.memory_space<vmem>>) offsets(%dma_start3A_118 : memref<1664xi32, #tpu.memory_space<vmem>>) semaphore(%arg8 : memref<!tpu.dma_semaphore, #tpu.memory_space<semaphore_mem>>)
    %dma_wait3A_122 = arith.constant 9984 : i32
    %dma_wait3A_123 = tpu.memref_slice %arg5[%dma_wait3A_122] : memref<13312xi32, #tpu.memory_space<vmem>> -> memref<1664xi32, #tpu.memory_space<vmem>>
    %dma_wait3A_124 = arith.constant 0 : i32
    %dma_wait3A_125 = arith.constant 0 : i32
    %dma_wait3A_126 = tpu.memref_slice %arg2[%dma_wait3A_124, %dma_wait3A_125] : memref<1048576x16xf32, #tpu.memory_space<hbm>> -> memref<1048576x16xf32, #tpu.memory_space<hbm>>
    tpu.wait_indirect_dma semaphore(%arg8 : memref<!tpu.dma_semaphore, #tpu.memory_space<semaphore_mem>>) src(%dma_wait3A_126 : memref<1048576x16xf32, #tpu.memory_space<hbm>>) dst(%arg6 : memref<1664x16xf32, #tpu.memory_space<vmem>>)
    %add3A_127 = arith.constant 9984 : i32
    %add3A_128 = arith.addi %mul3A_2, %add3A_127 : i32
    %dma_start3A_129 = arith.constant 0 : i32
    %dma_start3A_130 = tpu.memref_slice %arg4[%add3A_128, %dma_start3A_129] : memref<425984x16xf32, #tpu.memory_space<hbm>> -> memref<1664x16xf32, #tpu.memory_space<hbm>>
    %dma_start3A_131 = arith.constant 0 : i32
    %dma_start3A_132 = tpu.memref_slice %arg4[%add3A_128, %dma_start3A_131] : memref<425984x16xf32, #tpu.memory_space<hbm>> -> memref<1664x16xf32, #tpu.memory_space<hbm>>
    tpu.enqueue_dma source(%arg6 : memref<1664x16xf32, #tpu.memory_space<vmem>>) target(%dma_start3A_132 : memref<1664x16xf32, #tpu.memory_space<hbm>>) target_semaphore(%arg10 : memref<!tpu.dma_semaphore, #tpu.memory_space<semaphore_mem>>)
    %dma_wait3A_133 = arith.constant 0 : i32
    %dma_wait3A_134 = tpu.memref_slice %arg4[%add3A_108, %dma_wait3A_133] : memref<425984x16xf32, #tpu.memory_space<hbm>> -> memref<1664x16xf32, #tpu.memory_space<hbm>>
    %dma_wait3A_135 = arith.constant 0 : i32
    %dma_wait3A_136 = tpu.memref_slice %arg4[%add3A_108, %dma_wait3A_135] : memref<425984x16xf32, #tpu.memory_space<hbm>> -> memref<1664x16xf32, #tpu.memory_space<hbm>>
    tpu.wait_dma2 semaphore(%arg11 : memref<!tpu.dma_semaphore, #tpu.memory_space<semaphore_mem>>) src(%arg7 : memref<1664x16xf32, #tpu.memory_space<vmem>>) dst(%dma_wait3A_136 : memref<1664x16xf32, #tpu.memory_space<hbm>>)
    %dma_start3A_137 = arith.constant 11648 : i32
    %dma_start3A_138 = tpu.memref_slice %arg5[%dma_start3A_137] : memref<13312xi32, #tpu.memory_space<vmem>> -> memref<1664xi32, #tpu.memory_space<vmem>>
    %dma_start3A_139 = arith.constant 0 : i32
    %dma_start3A_140 = arith.constant 0 : i32
    %dma_start3A_141 = tpu.memref_slice %arg2[%dma_start3A_139, %dma_start3A_140] : memref<1048576x16xf32, #tpu.memory_space<hbm>> -> memref<1048576x16xf32, #tpu.memory_space<hbm>>
    tpu.enqueue_indirect_dma source(%dma_start3A_141 : memref<1048576x16xf32, #tpu.memory_space<hbm>>) target(%arg7 : memref<1664x16xf32, #tpu.memory_space<vmem>>) offsets(%dma_start3A_138 : memref<1664xi32, #tpu.memory_space<vmem>>) semaphore(%arg9 : memref<!tpu.dma_semaphore, #tpu.memory_space<semaphore_mem>>)
    %dma_wait3A_142 = arith.constant 11648 : i32
    %dma_wait3A_143 = tpu.memref_slice %arg5[%dma_wait3A_142] : memref<13312xi32, #tpu.memory_space<vmem>> -> memref<1664xi32, #tpu.memory_space<vmem>>
    %dma_wait3A_144 = arith.constant 0 : i32
    %dma_wait3A_145 = arith.constant 0 : i32
    %dma_wait3A_146 = tpu.memref_slice %arg2[%dma_wait3A_144, %dma_wait3A_145] : memref<1048576x16xf32, #tpu.memory_space<hbm>> -> memref<1048576x16xf32, #tpu.memory_space<hbm>>
    tpu.wait_indirect_dma semaphore(%arg9 : memref<!tpu.dma_semaphore, #tpu.memory_space<semaphore_mem>>) src(%dma_wait3A_146 : memref<1048576x16xf32, #tpu.memory_space<hbm>>) dst(%arg7 : memref<1664x16xf32, #tpu.memory_space<vmem>>)
    %add3A_147 = arith.constant 11648 : i32
    %add3A_148 = arith.addi %mul3A_2, %add3A_147 : i32
    %dma_start3A_149 = arith.constant 0 : i32
    %dma_start3A_150 = tpu.memref_slice %arg4[%add3A_148, %dma_start3A_149] : memref<425984x16xf32, #tpu.memory_space<hbm>> -> memref<1664x16xf32, #tpu.memory_space<hbm>>
    %dma_start3A_151 = arith.constant 0 : i32
    %dma_start3A_152 = tpu.memref_slice %arg4[%add3A_148, %dma_start3A_151] : memref<425984x16xf32, #tpu.memory_space<hbm>> -> memref<1664x16xf32, #tpu.memory_space<hbm>>
    tpu.enqueue_dma source(%arg7 : memref<1664x16xf32, #tpu.memory_space<vmem>>) target(%dma_start3A_152 : memref<1664x16xf32, #tpu.memory_space<hbm>>) target_semaphore(%arg11 : memref<!tpu.dma_semaphore, #tpu.memory_space<semaphore_mem>>)
    %dma_wait3A_153 = arith.constant 0 : i32
    %dma_wait3A_154 = tpu.memref_slice %arg4[%add3A_128, %dma_wait3A_153] : memref<425984x16xf32, #tpu.memory_space<hbm>> -> memref<1664x16xf32, #tpu.memory_space<hbm>>
    %dma_wait3A_155 = arith.constant 0 : i32
    %dma_wait3A_156 = tpu.memref_slice %arg4[%add3A_128, %dma_wait3A_155] : memref<425984x16xf32, #tpu.memory_space<hbm>> -> memref<1664x16xf32, #tpu.memory_space<hbm>>
    tpu.wait_dma2 semaphore(%arg10 : memref<!tpu.dma_semaphore, #tpu.memory_space<semaphore_mem>>) src(%arg6 : memref<1664x16xf32, #tpu.memory_space<vmem>>) dst(%dma_wait3A_156 : memref<1664x16xf32, #tpu.memory_space<hbm>>)
    %dma_wait3A_157 = arith.constant 0 : i32
    %dma_wait3A_158 = tpu.memref_slice %arg4[%add3A_148, %dma_wait3A_157] : memref<425984x16xf32, #tpu.memory_space<hbm>> -> memref<1664x16xf32, #tpu.memory_space<hbm>>
    %dma_wait3A_159 = arith.constant 0 : i32
    %dma_wait3A_160 = tpu.memref_slice %arg4[%add3A_148, %dma_wait3A_159] : memref<425984x16xf32, #tpu.memory_space<hbm>> -> memref<1664x16xf32, #tpu.memory_space<hbm>>
    tpu.wait_dma2 semaphore(%arg11 : memref<!tpu.dma_semaphore, #tpu.memory_space<semaphore_mem>>) src(%arg7 : memref<1664x16xf32, #tpu.memory_space<vmem>>) dst(%dma_wait3A_160 : memref<1664x16xf32, #tpu.memory_space<hbm>>)
    return
  }
}

module attributes {stable_mosaic.version = 14 : i64} {
  func.func @_tr_body(%arg0: i32, %arg1: memref<16x65536xf32, #tpu.memory_space<vmem>>, %arg2: memref<8192x128xf32, #tpu.memory_space<vmem>>) attributes {dimension_semantics = [#tpu.dimension_semantics<arbitrary>], iteration_bounds = array<i64: 16>, scalar_prefetch = 0 : i64, scratch_operands = 0 : i64, tpu.core_type = #tpu.core_type<tc>, window_params = [{transform_indices = @transform_0, window_bounds = array<i64: 16, 65536>}, {transform_indices = @transform_1, window_bounds = array<i64: 8192, 128>}]} {
    %get3A = arith.constant 0 : index
    %get3A_0 = arith.constant 0 : index
    %get3A_1 = vector.load %arg1[%get3A, %get3A_0] : memref<16x65536xf32, #tpu.memory_space<vmem>>, vector<16x65536xf32>
    %slice3A = vector.extract_strided_slice %get3A_1 {offsets = [0, 0], sizes = [16, 128], strides = [1, 1]} : vector<16x65536xf32> to vector<16x128xf32>
    %slice3A_2 = vector.extract_strided_slice %get3A_1 {offsets = [0, 128], sizes = [16, 128], strides = [1, 1]} : vector<16x65536xf32> to vector<16x128xf32>
    %slice3A_3 = vector.extract_strided_slice %get3A_1 {offsets = [0, 256], sizes = [16, 128], strides = [1, 1]} : vector<16x65536xf32> to vector<16x128xf32>
    %slice3A_4 = vector.extract_strided_slice %get3A_1 {offsets = [0, 384], sizes = [16, 128], strides = [1, 1]} : vector<16x65536xf32> to vector<16x128xf32>
    %slice3A_5 = vector.extract_strided_slice %get3A_1 {offsets = [0, 512], sizes = [16, 128], strides = [1, 1]} : vector<16x65536xf32> to vector<16x128xf32>
    %slice3A_6 = vector.extract_strided_slice %get3A_1 {offsets = [0, 640], sizes = [16, 128], strides = [1, 1]} : vector<16x65536xf32> to vector<16x128xf32>
    %slice3A_7 = vector.extract_strided_slice %get3A_1 {offsets = [0, 768], sizes = [16, 128], strides = [1, 1]} : vector<16x65536xf32> to vector<16x128xf32>
    %slice3A_8 = vector.extract_strided_slice %get3A_1 {offsets = [0, 896], sizes = [16, 128], strides = [1, 1]} : vector<16x65536xf32> to vector<16x128xf32>
    %concatenate3A = tpu.concatenate %slice3A, %slice3A_2, %slice3A_3, %slice3A_4, %slice3A_5, %slice3A_6, %slice3A_7, %slice3A_8 in 0 : vector<16x128xf32>, vector<16x128xf32>, vector<16x128xf32>, vector<16x128xf32>, vector<16x128xf32>, vector<16x128xf32>, vector<16x128xf32>, vector<16x128xf32> -> vector<128x128xf32>
    %transpose3A = tpu.transpose %concatenate3A, [1, 0] : vector<128x128xf32> -> vector<128x128xf32>
    %swap3A = arith.constant 0 : index
    %swap3A_9 = arith.constant 0 : index
    %swap3A_10 = vector.load %arg2[%swap3A, %swap3A_9] : memref<8192x128xf32, #tpu.memory_space<vmem>>, vector<128x128xf32>
    tpu.vector_store %arg2[%swap3A, %swap3A_9], %transpose3A {strides = array<i32>} : memref<8192x128xf32, #tpu.memory_space<vmem>>, vector<128x128xf32>,
    %slice3A_11 = vector.extract_strided_slice %get3A_1 {offsets = [0, 1024], sizes = [16, 128], strides = [1, 1]} : vector<16x65536xf32> to vector<16x128xf32>
    %slice3A_12 = vector.extract_strided_slice %get3A_1 {offsets = [0, 1152], sizes = [16, 128], strides = [1, 1]} : vector<16x65536xf32> to vector<16x128xf32>
    %slice3A_13 = vector.extract_strided_slice %get3A_1 {offsets = [0, 1280], sizes = [16, 128], strides = [1, 1]} : vector<16x65536xf32> to vector<16x128xf32>
    %slice3A_14 = vector.extract_strided_slice %get3A_1 {offsets = [0, 1408], sizes = [16, 128], strides = [1, 1]} : vector<16x65536xf32> to vector<16x128xf32>
    %slice3A_15 = vector.extract_strided_slice %get3A_1 {offsets = [0, 1536], sizes = [16, 128], strides = [1, 1]} : vector<16x65536xf32> to vector<16x128xf32>
    %slice3A_16 = vector.extract_strided_slice %get3A_1 {offsets = [0, 1664], sizes = [16, 128], strides = [1, 1]} : vector<16x65536xf32> to vector<16x128xf32>
    %slice3A_17 = vector.extract_strided_slice %get3A_1 {offsets = [0, 1792], sizes = [16, 128], strides = [1, 1]} : vector<16x65536xf32> to vector<16x128xf32>
    %slice3A_18 = vector.extract_strided_slice %get3A_1 {offsets = [0, 1920], sizes = [16, 128], strides = [1, 1]} : vector<16x65536xf32> to vector<16x128xf32>
    %concatenate3A_19 = tpu.concatenate %slice3A_11, %slice3A_12, %slice3A_13, %slice3A_14, %slice3A_15, %slice3A_16, %slice3A_17, %slice3A_18 in 0 : vector<16x128xf32>, vector<16x128xf32>, vector<16x128xf32>, vector<16x128xf32>, vector<16x128xf32>, vector<16x128xf32>, vector<16x128xf32>, vector<16x128xf32> -> vector<128x128xf32>
    %transpose3A_20 = tpu.transpose %concatenate3A_19, [1, 0] : vector<128x128xf32> -> vector<128x128xf32>
    %swap3A_21 = arith.constant 128 : index
    %swap3A_22 = arith.constant 0 : index
    %swap3A_23 = vector.load %arg2[%swap3A_21, %swap3A_22] : memref<8192x128xf32, #tpu.memory_space<vmem>>, vector<128x128xf32>
    tpu.vector_store %arg2[%swap3A_21, %swap3A_22], %transpose3A_20 {strides = array<i32>} : memref<8192x128xf32, #tpu.memory_space<vmem>>, vector<128x128xf32>,
    %slice3A_24 = vector.extract_strided_slice %get3A_1 {offsets = [0, 2048], sizes = [16, 128], strides = [1, 1]} : vector<16x65536xf32> to vector<16x128xf32>
    %slice3A_25 = vector.extract_strided_slice %get3A_1 {offsets = [0, 2176], sizes = [16, 128], strides = [1, 1]} : vector<16x65536xf32> to vector<16x128xf32>
    %slice3A_26 = vector.extract_strided_slice %get3A_1 {offsets = [0, 2304], sizes = [16, 128], strides = [1, 1]} : vector<16x65536xf32> to vector<16x128xf32>
    %slice3A_27 = vector.extract_strided_slice %get3A_1 {offsets = [0, 2432], sizes = [16, 128], strides = [1, 1]} : vector<16x65536xf32> to vector<16x128xf32>
    %slice3A_28 = vector.extract_strided_slice %get3A_1 {offsets = [0, 2560], sizes = [16, 128], strides = [1, 1]} : vector<16x65536xf32> to vector<16x128xf32>
    %slice3A_29 = vector.extract_strided_slice %get3A_1 {offsets = [0, 2688], sizes = [16, 128], strides = [1, 1]} : vector<16x65536xf32> to vector<16x128xf32>
    %slice3A_30 = vector.extract_strided_slice %get3A_1 {offsets = [0, 2816], sizes = [16, 128], strides = [1, 1]} : vector<16x65536xf32> to vector<16x128xf32>
    %slice3A_31 = vector.extract_strided_slice %get3A_1 {offsets = [0, 2944], sizes = [16, 128], strides = [1, 1]} : vector<16x65536xf32> to vector<16x128xf32>
    %concatenate3A_32 = tpu.concatenate %slice3A_24, %slice3A_25, %slice3A_26, %slice3A_27, %slice3A_28, %slice3A_29, %slice3A_30, %slice3A_31 in 0 : vector<16x128xf32>, vector<16x128xf32>, vector<16x128xf32>, vector<16x128xf32>, vector<16x128xf32>, vector<16x128xf32>, vector<16x128xf32>, vector<16x128xf32> -> vector<128x128xf32>
    %transpose3A_33 = tpu.transpose %concatenate3A_32, [1, 0] : vector<128x128xf32> -> vector<128x128xf32>
    %swap3A_34 = arith.constant 256 : index
    %swap3A_35 = arith.constant 0 : index
    %swap3A_36 = vector.load %arg2[%swap3A_34, %swap3A_35] : memref<8192x128xf32, #tpu.memory_space<vmem>>, vector<128x128xf32>
    tpu.vector_store %arg2[%swap3A_34, %swap3A_35], %transpose3A_33 {strides = array<i32>} : memref<8192x128xf32, #tpu.memory_space<vmem>>, vector<128x128xf32>,
    %slice3A_37 = vector.extract_strided_slice %get3A_1 {offsets = [0, 3072], sizes = [16, 128], strides = [1, 1]} : vector<16x65536xf32> to vector<16x128xf32>
    %slice3A_38 = vector.extract_strided_slice %get3A_1 {offsets = [0, 3200], sizes = [16, 128], strides = [1, 1]} : vector<16x65536xf32> to vector<16x128xf32>
    %slice3A_39 = vector.extract_strided_slice %get3A_1 {offsets = [0, 3328], sizes = [16, 128], strides = [1, 1]} : vector<16x65536xf32> to vector<16x128xf32>
    %slice3A_40 = vector.extract_strided_slice %get3A_1 {offsets = [0, 3456], sizes = [16, 128], strides = [1, 1]} : vector<16x65536xf32> to vector<16x128xf32>
    %slice3A_41 = vector.extract_strided_slice %get3A_1 {offsets = [0, 3584], sizes = [16, 128], strides = [1, 1]} : vector<16x65536xf32> to vector<16x128xf32>
    %slice3A_42 = vector.extract_strided_slice %get3A_1 {offsets = [0, 3712], sizes = [16, 128], strides = [1, 1]} : vector<16x65536xf32> to vector<16x128xf32>
    %slice3A_43 = vector.extract_strided_slice %get3A_1 {offsets = [0, 3840], sizes = [16, 128], strides = [1, 1]} : vector<16x65536xf32> to vector<16x128xf32>
    %slice3A_44 = vector.extract_strided_slice %get3A_1 {offsets = [0, 3968], sizes = [16, 128], strides = [1, 1]} : vector<16x65536xf32> to vector<16x128xf32>
    %concatenate3A_45 = tpu.concatenate %slice3A_37, %slice3A_38, %slice3A_39, %slice3A_40, %slice3A_41, %slice3A_42, %slice3A_43, %slice3A_44 in 0 : vector<16x128xf32>, vector<16x128xf32>, vector<16x128xf32>, vector<16x128xf32>, vector<16x128xf32>, vector<16x128xf32>, vector<16x128xf32>, vector<16x128xf32> -> vector<128x128xf32>
    %transpose3A_46 = tpu.transpose %concatenate3A_45, [1, 0] : vector<128x128xf32> -> vector<128x128xf32>
    %swap3A_47 = arith.constant 384 : index
    %swap3A_48 = arith.constant 0 : index
    %swap3A_49 = vector.load %arg2[%swap3A_47, %swap3A_48] : memref<8192x128xf32, #tpu.memory_space<vmem>>, vector<128x128xf32>
    tpu.vector_store %arg2[%swap3A_47, %swap3A_48], %transpose3A_46 {strides = array<i32>} : memref<8192x128xf32, #tpu.memory_space<vmem>>, vector<128x128xf32>,
    %slice3A_50 = vector.extract_strided_slice %get3A_1 {offsets = [0, 4096], sizes = [16, 128], strides = [1, 1]} : vector<16x65536xf32> to vector<16x128xf32>
    %slice3A_51 = vector.extract_strided_slice %get3A_1 {offsets = [0, 4224], sizes = [16, 128], strides = [1, 1]} : vector<16x65536xf32> to vector<16x128xf32>
    %slice3A_52 = vector.extract_strided_slice %get3A_1 {offsets = [0, 4352], sizes = [16, 128], strides = [1, 1]} : vector<16x65536xf32> to vector<16x128xf32>
    %slice3A_53 = vector.extract_strided_slice %get3A_1 {offsets = [0, 4480], sizes = [16, 128], strides = [1, 1]} : vector<16x65536xf32> to vector<16x128xf32>
    %slice3A_54 = vector.extract_strided_slice %get3A_1 {offsets = [0, 4608], sizes = [16, 128], strides = [1, 1]} : vector<16x65536xf32> to vector<16x128xf32>
    %slice3A_55 = vector.extract_strided_slice %get3A_1 {offsets = [0, 4736], sizes = [16, 128], strides = [1, 1]} : vector<16x65536xf32> to vector<16x128xf32>
    %slice3A_56 = vector.extract_strided_slice %get3A_1 {offsets = [0, 4864], sizes = [16, 128], strides = [1, 1]} : vector<16x65536xf32> to vector<16x128xf32>
    %slice3A_57 = vector.extract_strided_slice %get3A_1 {offsets = [0, 4992], sizes = [16, 128], strides = [1, 1]} : vector<16x65536xf32> to vector<16x128xf32>
    %concatenate3A_58 = tpu.concatenate %slice3A_50, %slice3A_51, %slice3A_52, %slice3A_53, %slice3A_54, %slice3A_55, %slice3A_56, %slice3A_57 in 0 : vector<16x128xf32>, vector<16x128xf32>, vector<16x128xf32>, vector<16x128xf32>, vector<16x128xf32>, vector<16x128xf32>, vector<16x128xf32>, vector<16x128xf32> -> vector<128x128xf32>
    %transpose3A_59 = tpu.transpose %concatenate3A_58, [1, 0] : vector<128x128xf32> -> vector<128x128xf32>
    %swap3A_60 = arith.constant 512 : index
    %swap3A_61 = arith.constant 0 : index
    %swap3A_62 = vector.load %arg2[%swap3A_60, %swap3A_61] : memref<8192x128xf32, #tpu.memory_space<vmem>>, vector<128x128xf32>
    tpu.vector_store %arg2[%swap3A_60, %swap3A_61], %transpose3A_59 {strides = array<i32>} : memref<8192x128xf32, #tpu.memory_space<vmem>>, vector<128x128xf32>,
    %slice3A_63 = vector.extract_strided_slice %get3A_1 {offsets = [0, 5120], sizes = [16, 128], strides = [1, 1]} : vector<16x65536xf32> to vector<16x128xf32>
    %slice3A_64 = vector.extract_strided_slice %get3A_1 {offsets = [0, 5248], sizes = [16, 128], strides = [1, 1]} : vector<16x65536xf32> to vector<16x128xf32>
    %slice3A_65 = vector.extract_strided_slice %get3A_1 {offsets = [0, 5376], sizes = [16, 128], strides = [1, 1]} : vector<16x65536xf32> to vector<16x128xf32>
    %slice3A_66 = vector.extract_strided_slice %get3A_1 {offsets = [0, 5504], sizes = [16, 128], strides = [1, 1]} : vector<16x65536xf32> to vector<16x128xf32>
    %slice3A_67 = vector.extract_strided_slice %get3A_1 {offsets = [0, 5632], sizes = [16, 128], strides = [1, 1]} : vector<16x65536xf32> to vector<16x128xf32>
    %slice3A_68 = vector.extract_strided_slice %get3A_1 {offsets = [0, 5760], sizes = [16, 128], strides = [1, 1]} : vector<16x65536xf32> to vector<16x128xf32>
    %slice3A_69 = vector.extract_strided_slice %get3A_1 {offsets = [0, 5888], sizes = [16, 128], strides = [1, 1]} : vector<16x65536xf32> to vector<16x128xf32>
    %slice3A_70 = vector.extract_strided_slice %get3A_1 {offsets = [0, 6016], sizes = [16, 128], strides = [1, 1]} : vector<16x65536xf32> to vector<16x128xf32>
    %concatenate3A_71 = tpu.concatenate %slice3A_63, %slice3A_64, %slice3A_65, %slice3A_66, %slice3A_67, %slice3A_68, %slice3A_69, %slice3A_70 in 0 : vector<16x128xf32>, vector<16x128xf32>, vector<16x128xf32>, vector<16x128xf32>, vector<16x128xf32>, vector<16x128xf32>, vector<16x128xf32>, vector<16x128xf32> -> vector<128x128xf32>
    %transpose3A_72 = tpu.transpose %concatenate3A_71, [1, 0] : vector<128x128xf32> -> vector<128x128xf32>
    %swap3A_73 = arith.constant 640 : index
    %swap3A_74 = arith.constant 0 : index
    %swap3A_75 = vector.load %arg2[%swap3A_73, %swap3A_74] : memref<8192x128xf32, #tpu.memory_space<vmem>>, vector<128x128xf32>
    tpu.vector_store %arg2[%swap3A_73, %swap3A_74], %transpose3A_72 {strides = array<i32>} : memref<8192x128xf32, #tpu.memory_space<vmem>>, vector<128x128xf32>,
    %slice3A_76 = vector.extract_strided_slice %get3A_1 {offsets = [0, 6144], sizes = [16, 128], strides = [1, 1]} : vector<16x65536xf32> to vector<16x128xf32>
    %slice3A_77 = vector.extract_strided_slice %get3A_1 {offsets = [0, 6272], sizes = [16, 128], strides = [1, 1]} : vector<16x65536xf32> to vector<16x128xf32>
    %slice3A_78 = vector.extract_strided_slice %get3A_1 {offsets = [0, 6400], sizes = [16, 128], strides = [1, 1]} : vector<16x65536xf32> to vector<16x128xf32>
    %slice3A_79 = vector.extract_strided_slice %get3A_1 {offsets = [0, 6528], sizes = [16, 128], strides = [1, 1]} : vector<16x65536xf32> to vector<16x128xf32>
    %slice3A_80 = vector.extract_strided_slice %get3A_1 {offsets = [0, 6656], sizes = [16, 128], strides = [1, 1]} : vector<16x65536xf32> to vector<16x128xf32>
    %slice3A_81 = vector.extract_strided_slice %get3A_1 {offsets = [0, 6784], sizes = [16, 128], strides = [1, 1]} : vector<16x65536xf32> to vector<16x128xf32>
    %slice3A_82 = vector.extract_strided_slice %get3A_1 {offsets = [0, 6912], sizes = [16, 128], strides = [1, 1]} : vector<16x65536xf32> to vector<16x128xf32>
    %slice3A_83 = vector.extract_strided_slice %get3A_1 {offsets = [0, 7040], sizes = [16, 128], strides = [1, 1]} : vector<16x65536xf32> to vector<16x128xf32>
    %concatenate3A_84 = tpu.concatenate %slice3A_76, %slice3A_77, %slice3A_78, %slice3A_79, %slice3A_80, %slice3A_81, %slice3A_82, %slice3A_83 in 0 : vector<16x128xf32>, vector<16x128xf32>, vector<16x128xf32>, vector<16x128xf32>, vector<16x128xf32>, vector<16x128xf32>, vector<16x128xf32>, vector<16x128xf32> -> vector<128x128xf32>
    %transpose3A_85 = tpu.transpose %concatenate3A_84, [1, 0] : vector<128x128xf32> -> vector<128x128xf32>
    %swap3A_86 = arith.constant 768 : index
    %swap3A_87 = arith.constant 0 : index
    %swap3A_88 = vector.load %arg2[%swap3A_86, %swap3A_87] : memref<8192x128xf32, #tpu.memory_space<vmem>>, vector<128x128xf32>
    tpu.vector_store %arg2[%swap3A_86, %swap3A_87], %transpose3A_85 {strides = array<i32>} : memref<8192x128xf32, #tpu.memory_space<vmem>>, vector<128x128xf32>,
    %slice3A_89 = vector.extract_strided_slice %get3A_1 {offsets = [0, 7168], sizes = [16, 128], strides = [1, 1]} : vector<16x65536xf32> to vector<16x128xf32>
    %slice3A_90 = vector.extract_strided_slice %get3A_1 {offsets = [0, 7296], sizes = [16, 128], strides = [1, 1]} : vector<16x65536xf32> to vector<16x128xf32>
    %slice3A_91 = vector.extract_strided_slice %get3A_1 {offsets = [0, 7424], sizes = [16, 128], strides = [1, 1]} : vector<16x65536xf32> to vector<16x128xf32>
    %slice3A_92 = vector.extract_strided_slice %get3A_1 {offsets = [0, 7552], sizes = [16, 128], strides = [1, 1]} : vector<16x65536xf32> to vector<16x128xf32>
    %slice3A_93 = vector.extract_strided_slice %get3A_1 {offsets = [0, 7680], sizes = [16, 128], strides = [1, 1]} : vector<16x65536xf32> to vector<16x128xf32>
    %slice3A_94 = vector.extract_strided_slice %get3A_1 {offsets = [0, 7808], sizes = [16, 128], strides = [1, 1]} : vector<16x65536xf32> to vector<16x128xf32>
    %slice3A_95 = vector.extract_strided_slice %get3A_1 {offsets = [0, 7936], sizes = [16, 128], strides = [1, 1]} : vector<16x65536xf32> to vector<16x128xf32>
    %slice3A_96 = vector.extract_strided_slice %get3A_1 {offsets = [0, 8064], sizes = [16, 128], strides = [1, 1]} : vector<16x65536xf32> to vector<16x128xf32>
    %concatenate3A_97 = tpu.concatenate %slice3A_89, %slice3A_90, %slice3A_91, %slice3A_92, %slice3A_93, %slice3A_94, %slice3A_95, %slice3A_96 in 0 : vector<16x128xf32>, vector<16x128xf32>, vector<16x128xf32>, vector<16x128xf32>, vector<16x128xf32>, vector<16x128xf32>, vector<16x128xf32>, vector<16x128xf32> -> vector<128x128xf32>
    %transpose3A_98 = tpu.transpose %concatenate3A_97, [1, 0] : vector<128x128xf32> -> vector<128x128xf32>
    %swap3A_99 = arith.constant 896 : index
    %swap3A_100 = arith.constant 0 : index
    %swap3A_101 = vector.load %arg2[%swap3A_99, %swap3A_100] : memref<8192x128xf32, #tpu.memory_space<vmem>>, vector<128x128xf32>
    tpu.vector_store %arg2[%swap3A_99, %swap3A_100], %transpose3A_98 {strides = array<i32>} : memref<8192x128xf32, #tpu.memory_space<vmem>>, vector<128x128xf32>,
    %slice3A_102 = vector.extract_strided_slice %get3A_1 {offsets = [0, 8192], sizes = [16, 128], strides = [1, 1]} : vector<16x65536xf32> to vector<16x128xf32>
    %slice3A_103 = vector.extract_strided_slice %get3A_1 {offsets = [0, 8320], sizes = [16, 128], strides = [1, 1]} : vector<16x65536xf32> to vector<16x128xf32>
    %slice3A_104 = vector.extract_strided_slice %get3A_1 {offsets = [0, 8448], sizes = [16, 128], strides = [1, 1]} : vector<16x65536xf32> to vector<16x128xf32>
    %slice3A_105 = vector.extract_strided_slice %get3A_1 {offsets = [0, 8576], sizes = [16, 128], strides = [1, 1]} : vector<16x65536xf32> to vector<16x128xf32>
    %slice3A_106 = vector.extract_strided_slice %get3A_1 {offsets = [0, 8704], sizes = [16, 128], strides = [1, 1]} : vector<16x65536xf32> to vector<16x128xf32>
    %slice3A_107 = vector.extract_strided_slice %get3A_1 {offsets = [0, 8832], sizes = [16, 128], strides = [1, 1]} : vector<16x65536xf32> to vector<16x128xf32>
    %slice3A_108 = vector.extract_strided_slice %get3A_1 {offsets = [0, 8960], sizes = [16, 128], strides = [1, 1]} : vector<16x65536xf32> to vector<16x128xf32>
    %slice3A_109 = vector.extract_strided_slice %get3A_1 {offsets = [0, 9088], sizes = [16, 128], strides = [1, 1]} : vector<16x65536xf32> to vector<16x128xf32>
    %concatenate3A_110 = tpu.concatenate %slice3A_102, %slice3A_103, %slice3A_104, %slice3A_105, %slice3A_106, %slice3A_107, %slice3A_108, %slice3A_109 in 0 : vector<16x128xf32>, vector<16x128xf32>, vector<16x128xf32>, vector<16x128xf32>, vector<16x128xf32>, vector<16x128xf32>, vector<16x128xf32>, vector<16x128xf32> -> vector<128x128xf32>
    %transpose3A_111 = tpu.transpose %concatenate3A_110, [1, 0] : vector<128x128xf32> -> vector<128x128xf32>
    %swap3A_112 = arith.constant 1024 : index
    %swap3A_113 = arith.constant 0 : index
    %swap3A_114 = vector.load %arg2[%swap3A_112, %swap3A_113] : memref<8192x128xf32, #tpu.memory_space<vmem>>, vector<128x128xf32>
    tpu.vector_store %arg2[%swap3A_112, %swap3A_113], %transpose3A_111 {strides = array<i32>} : memref<8192x128xf32, #tpu.memory_space<vmem>>, vector<128x128xf32>,
    %slice3A_115 = vector.extract_strided_slice %get3A_1 {offsets = [0, 9216], sizes = [16, 128], strides = [1, 1]} : vector<16x65536xf32> to vector<16x128xf32>
    %slice3A_116 = vector.extract_strided_slice %get3A_1 {offsets = [0, 9344], sizes = [16, 128], strides = [1, 1]} : vector<16x65536xf32> to vector<16x128xf32>
    %slice3A_117 = vector.extract_strided_slice %get3A_1 {offsets = [0, 9472], sizes = [16, 128], strides = [1, 1]} : vector<16x65536xf32> to vector<16x128xf32>
    %slice3A_118 = vector.extract_strided_slice %get3A_1 {offsets = [0, 9600], sizes = [16, 128], strides = [1, 1]} : vector<16x65536xf32> to vector<16x128xf32>
    %slice3A_119 = vector.extract_strided_slice %get3A_1 {offsets = [0, 9728], sizes = [16, 128], strides = [1, 1]} : vector<16x65536xf32> to vector<16x128xf32>
    %slice3A_120 = vector.extract_strided_slice %get3A_1 {offsets = [0, 9856], sizes = [16, 128], strides = [1, 1]} : vector<16x65536xf32> to vector<16x128xf32>
    %slice3A_121 = vector.extract_strided_slice %get3A_1 {offsets = [0, 9984], sizes = [16, 128], strides = [1, 1]} : vector<16x65536xf32> to vector<16x128xf32>
    %slice3A_122 = vector.extract_strided_slice %get3A_1 {offsets = [0, 10112], sizes = [16, 128], strides = [1, 1]} : vector<16x65536xf32> to vector<16x128xf32>
    %concatenate3A_123 = tpu.concatenate %slice3A_115, %slice3A_116, %slice3A_117, %slice3A_118, %slice3A_119, %slice3A_120, %slice3A_121, %slice3A_122 in 0 : vector<16x128xf32>, vector<16x128xf32>, vector<16x128xf32>, vector<16x128xf32>, vector<16x128xf32>, vector<16x128xf32>, vector<16x128xf32>, vector<16x128xf32> -> vector<128x128xf32>
    %transpose3A_124 = tpu.transpose %concatenate3A_123, [1, 0] : vector<128x128xf32> -> vector<128x128xf32>
    %swap3A_125 = arith.constant 1152 : index
    %swap3A_126 = arith.constant 0 : index
    %swap3A_127 = vector.load %arg2[%swap3A_125, %swap3A_126] : memref<8192x128xf32, #tpu.memory_space<vmem>>, vector<128x128xf32>
    tpu.vector_store %arg2[%swap3A_125, %swap3A_126], %transpose3A_124 {strides = array<i32>} : memref<8192x128xf32, #tpu.memory_space<vmem>>, vector<128x128xf32>,
    %slice3A_128 = vector.extract_strided_slice %get3A_1 {offsets = [0, 10240], sizes = [16, 128], strides = [1, 1]} : vector<16x65536xf32> to vector<16x128xf32>
    %slice3A_129 = vector.extract_strided_slice %get3A_1 {offsets = [0, 10368], sizes = [16, 128], strides = [1, 1]} : vector<16x65536xf32> to vector<16x128xf32>
    %slice3A_130 = vector.extract_strided_slice %get3A_1 {offsets = [0, 10496], sizes = [16, 128], strides = [1, 1]} : vector<16x65536xf32> to vector<16x128xf32>
    %slice3A_131 = vector.extract_strided_slice %get3A_1 {offsets = [0, 10624], sizes = [16, 128], strides = [1, 1]} : vector<16x65536xf32> to vector<16x128xf32>
    %slice3A_132 = vector.extract_strided_slice %get3A_1 {offsets = [0, 10752], sizes = [16, 128], strides = [1, 1]} : vector<16x65536xf32> to vector<16x128xf32>
    %slice3A_133 = vector.extract_strided_slice %get3A_1 {offsets = [0, 10880], sizes = [16, 128], strides = [1, 1]} : vector<16x65536xf32> to vector<16x128xf32>
    %slice3A_134 = vector.extract_strided_slice %get3A_1 {offsets = [0, 11008], sizes = [16, 128], strides = [1, 1]} : vector<16x65536xf32> to vector<16x128xf32>
    %slice3A_135 = vector.extract_strided_slice %get3A_1 {offsets = [0, 11136], sizes = [16, 128], strides = [1, 1]} : vector<16x65536xf32> to vector<16x128xf32>
    %concatenate3A_136 = tpu.concatenate %slice3A_128, %slice3A_129, %slice3A_130, %slice3A_131, %slice3A_132, %slice3A_133, %slice3A_134, %slice3A_135 in 0 : vector<16x128xf32>, vector<16x128xf32>, vector<16x128xf32>, vector<16x128xf32>, vector<16x128xf32>, vector<16x128xf32>, vector<16x128xf32>, vector<16x128xf32> -> vector<128x128xf32>
    %transpose3A_137 = tpu.transpose %concatenate3A_136, [1, 0] : vector<128x128xf32> -> vector<128x128xf32>
    %swap3A_138 = arith.constant 1280 : index
    %swap3A_139 = arith.constant 0 : index
    %swap3A_140 = vector.load %arg2[%swap3A_138, %swap3A_139] : memref<8192x128xf32, #tpu.memory_space<vmem>>, vector<128x128xf32>
    tpu.vector_store %arg2[%swap3A_138, %swap3A_139], %transpose3A_137 {strides = array<i32>} : memref<8192x128xf32, #tpu.memory_space<vmem>>, vector<128x128xf32>,
    %slice3A_141 = vector.extract_strided_slice %get3A_1 {offsets = [0, 11264], sizes = [16, 128], strides = [1, 1]} : vector<16x65536xf32> to vector<16x128xf32>
    %slice3A_142 = vector.extract_strided_slice %get3A_1 {offsets = [0, 11392], sizes = [16, 128], strides = [1, 1]} : vector<16x65536xf32> to vector<16x128xf32>
    %slice3A_143 = vector.extract_strided_slice %get3A_1 {offsets = [0, 11520], sizes = [16, 128], strides = [1, 1]} : vector<16x65536xf32> to vector<16x128xf32>
    %slice3A_144 = vector.extract_strided_slice %get3A_1 {offsets = [0, 11648], sizes = [16, 128], strides = [1, 1]} : vector<16x65536xf32> to vector<16x128xf32>
    %slice3A_145 = vector.extract_strided_slice %get3A_1 {offsets = [0, 11776], sizes = [16, 128], strides = [1, 1]} : vector<16x65536xf32> to vector<16x128xf32>
    %slice3A_146 = vector.extract_strided_slice %get3A_1 {offsets = [0, 11904], sizes = [16, 128], strides = [1, 1]} : vector<16x65536xf32> to vector<16x128xf32>
    %slice3A_147 = vector.extract_strided_slice %get3A_1 {offsets = [0, 12032], sizes = [16, 128], strides = [1, 1]} : vector<16x65536xf32> to vector<16x128xf32>
    %slice3A_148 = vector.extract_strided_slice %get3A_1 {offsets = [0, 12160], sizes = [16, 128], strides = [1, 1]} : vector<16x65536xf32> to vector<16x128xf32>
    %concatenate3A_149 = tpu.concatenate %slice3A_141, %slice3A_142, %slice3A_143, %slice3A_144, %slice3A_145, %slice3A_146, %slice3A_147, %slice3A_148 in 0 : vector<16x128xf32>, vector<16x128xf32>, vector<16x128xf32>, vector<16x128xf32>, vector<16x128xf32>, vector<16x128xf32>, vector<16x128xf32>, vector<16x128xf32> -> vector<128x128xf32>
    %transpose3A_150 = tpu.transpose %concatenate3A_149, [1, 0] : vector<128x128xf32> -> vector<128x128xf32>
    %swap3A_151 = arith.constant 1408 : index
    %swap3A_152 = arith.constant 0 : index
    %swap3A_153 = vector.load %arg2[%swap3A_151, %swap3A_152] : memref<8192x128xf32, #tpu.memory_space<vmem>>, vector<128x128xf32>
    tpu.vector_store %arg2[%swap3A_151, %swap3A_152], %transpose3A_150 {strides = array<i32>} : memref<8192x128xf32, #tpu.memory_space<vmem>>, vector<128x128xf32>,
    %slice3A_154 = vector.extract_strided_slice %get3A_1 {offsets = [0, 12288], sizes = [16, 128], strides = [1, 1]} : vector<16x65536xf32> to vector<16x128xf32>
    %slice3A_155 = vector.extract_strided_slice %get3A_1 {offsets = [0, 12416], sizes = [16, 128], strides = [1, 1]} : vector<16x65536xf32> to vector<16x128xf32>
    %slice3A_156 = vector.extract_strided_slice %get3A_1 {offsets = [0, 12544], sizes = [16, 128], strides = [1, 1]} : vector<16x65536xf32> to vector<16x128xf32>
    %slice3A_157 = vector.extract_strided_slice %get3A_1 {offsets = [0, 12672], sizes = [16, 128], strides = [1, 1]} : vector<16x65536xf32> to vector<16x128xf32>
    %slice3A_158 = vector.extract_strided_slice %get3A_1 {offsets = [0, 12800], sizes = [16, 128], strides = [1, 1]} : vector<16x65536xf32> to vector<16x128xf32>
    %slice3A_159 = vector.extract_strided_slice %get3A_1 {offsets = [0, 12928], sizes = [16, 128], strides = [1, 1]} : vector<16x65536xf32> to vector<16x128xf32>
    %slice3A_160 = vector.extract_strided_slice %get3A_1 {offsets = [0, 13056], sizes = [16, 128], strides = [1, 1]} : vector<16x65536xf32> to vector<16x128xf32>
    %slice3A_161 = vector.extract_strided_slice %get3A_1 {offsets = [0, 13184], sizes = [16, 128], strides = [1, 1]} : vector<16x65536xf32> to vector<16x128xf32>
    %concatenate3A_162 = tpu.concatenate %slice3A_154, %slice3A_155, %slice3A_156, %slice3A_157, %slice3A_158, %slice3A_159, %slice3A_160, %slice3A_161 in 0 : vector<16x128xf32>, vector<16x128xf32>, vector<16x128xf32>, vector<16x128xf32>, vector<16x128xf32>, vector<16x128xf32>, vector<16x128xf32>, vector<16x128xf32> -> vector<128x128xf32>
    %transpose3A_163 = tpu.transpose %concatenate3A_162, [1, 0] : vector<128x128xf32> -> vector<128x128xf32>
    %swap3A_164 = arith.constant 1536 : index
    %swap3A_165 = arith.constant 0 : index
    %swap3A_166 = vector.load %arg2[%swap3A_164, %swap3A_165] : memref<8192x128xf32, #tpu.memory_space<vmem>>, vector<128x128xf32>
    tpu.vector_store %arg2[%swap3A_164, %swap3A_165], %transpose3A_163 {strides = array<i32>} : memref<8192x128xf32, #tpu.memory_space<vmem>>, vector<128x128xf32>,
    %slice3A_167 = vector.extract_strided_slice %get3A_1 {offsets = [0, 13312], sizes = [16, 128], strides = [1, 1]} : vector<16x65536xf32> to vector<16x128xf32>
    %slice3A_168 = vector.extract_strided_slice %get3A_1 {offsets = [0, 13440], sizes = [16, 128], strides = [1, 1]} : vector<16x65536xf32> to vector<16x128xf32>
    %slice3A_169 = vector.extract_strided_slice %get3A_1 {offsets = [0, 13568], sizes = [16, 128], strides = [1, 1]} : vector<16x65536xf32> to vector<16x128xf32>
    %slice3A_170 = vector.extract_strided_slice %get3A_1 {offsets = [0, 13696], sizes = [16, 128], strides = [1, 1]} : vector<16x65536xf32> to vector<16x128xf32>
    %slice3A_171 = vector.extract_strided_slice %get3A_1 {offsets = [0, 13824], sizes = [16, 128], strides = [1, 1]} : vector<16x65536xf32> to vector<16x128xf32>
    %slice3A_172 = vector.extract_strided_slice %get3A_1 {offsets = [0, 13952], sizes = [16, 128], strides = [1, 1]} : vector<16x65536xf32> to vector<16x128xf32>
    %slice3A_173 = vector.extract_strided_slice %get3A_1 {offsets = [0, 14080], sizes = [16, 128], strides = [1, 1]} : vector<16x65536xf32> to vector<16x128xf32>
    %slice3A_174 = vector.extract_strided_slice %get3A_1 {offsets = [0, 14208], sizes = [16, 128], strides = [1, 1]} : vector<16x65536xf32> to vector<16x128xf32>
    %concatenate3A_175 = tpu.concatenate %slice3A_167, %slice3A_168, %slice3A_169, %slice3A_170, %slice3A_171, %slice3A_172, %slice3A_173, %slice3A_174 in 0 : vector<16x128xf32>, vector<16x128xf32>, vector<16x128xf32>, vector<16x128xf32>, vector<16x128xf32>, vector<16x128xf32>, vector<16x128xf32>, vector<16x128xf32> -> vector<128x128xf32>
    %transpose3A_176 = tpu.transpose %concatenate3A_175, [1, 0] : vector<128x128xf32> -> vector<128x128xf32>
    %swap3A_177 = arith.constant 1664 : index
    %swap3A_178 = arith.constant 0 : index
    %swap3A_179 = vector.load %arg2[%swap3A_177, %swap3A_178] : memref<8192x128xf32, #tpu.memory_space<vmem>>, vector<128x128xf32>
    tpu.vector_store %arg2[%swap3A_177, %swap3A_178], %transpose3A_176 {strides = array<i32>} : memref<8192x128xf32, #tpu.memory_space<vmem>>, vector<128x128xf32>,
    %slice3A_180 = vector.extract_strided_slice %get3A_1 {offsets = [0, 14336], sizes = [16, 128], strides = [1, 1]} : vector<16x65536xf32> to vector<16x128xf32>
    %slice3A_181 = vector.extract_strided_slice %get3A_1 {offsets = [0, 14464], sizes = [16, 128], strides = [1, 1]} : vector<16x65536xf32> to vector<16x128xf32>
    %slice3A_182 = vector.extract_strided_slice %get3A_1 {offsets = [0, 14592], sizes = [16, 128], strides = [1, 1]} : vector<16x65536xf32> to vector<16x128xf32>
    %slice3A_183 = vector.extract_strided_slice %get3A_1 {offsets = [0, 14720], sizes = [16, 128], strides = [1, 1]} : vector<16x65536xf32> to vector<16x128xf32>
    %slice3A_184 = vector.extract_strided_slice %get3A_1 {offsets = [0, 14848], sizes = [16, 128], strides = [1, 1]} : vector<16x65536xf32> to vector<16x128xf32>
    %slice3A_185 = vector.extract_strided_slice %get3A_1 {offsets = [0, 14976], sizes = [16, 128], strides = [1, 1]} : vector<16x65536xf32> to vector<16x128xf32>
    %slice3A_186 = vector.extract_strided_slice %get3A_1 {offsets = [0, 15104], sizes = [16, 128], strides = [1, 1]} : vector<16x65536xf32> to vector<16x128xf32>
    %slice3A_187 = vector.extract_strided_slice %get3A_1 {offsets = [0, 15232], sizes = [16, 128], strides = [1, 1]} : vector<16x65536xf32> to vector<16x128xf32>
    %concatenate3A_188 = tpu.concatenate %slice3A_180, %slice3A_181, %slice3A_182, %slice3A_183, %slice3A_184, %slice3A_185, %slice3A_186, %slice3A_187 in 0 : vector<16x128xf32>, vector<16x128xf32>, vector<16x128xf32>, vector<16x128xf32>, vector<16x128xf32>, vector<16x128xf32>, vector<16x128xf32>, vector<16x128xf32> -> vector<128x128xf32>
    %transpose3A_189 = tpu.transpose %concatenate3A_188, [1, 0] : vector<128x128xf32> -> vector<128x128xf32>
    %swap3A_190 = arith.constant 1792 : index
    %swap3A_191 = arith.constant 0 : index
    %swap3A_192 = vector.load %arg2[%swap3A_190, %swap3A_191] : memref<8192x128xf32, #tpu.memory_space<vmem>>, vector<128x128xf32>
    tpu.vector_store %arg2[%swap3A_190, %swap3A_191], %transpose3A_189 {strides = array<i32>} : memref<8192x128xf32, #tpu.memory_space<vmem>>, vector<128x128xf32>,
    %slice3A_193 = vector.extract_strided_slice %get3A_1 {offsets = [0, 15360], sizes = [16, 128], strides = [1, 1]} : vector<16x65536xf32> to vector<16x128xf32>
    %slice3A_194 = vector.extract_strided_slice %get3A_1 {offsets = [0, 15488], sizes = [16, 128], strides = [1, 1]} : vector<16x65536xf32> to vector<16x128xf32>
    %slice3A_195 = vector.extract_strided_slice %get3A_1 {offsets = [0, 15616], sizes = [16, 128], strides = [1, 1]} : vector<16x65536xf32> to vector<16x128xf32>
    %slice3A_196 = vector.extract_strided_slice %get3A_1 {offsets = [0, 15744], sizes = [16, 128], strides = [1, 1]} : vector<16x65536xf32> to vector<16x128xf32>
    %slice3A_197 = vector.extract_strided_slice %get3A_1 {offsets = [0, 15872], sizes = [16, 128], strides = [1, 1]} : vector<16x65536xf32> to vector<16x128xf32>
    %slice3A_198 = vector.extract_strided_slice %get3A_1 {offsets = [0, 16000], sizes = [16, 128], strides = [1, 1]} : vector<16x65536xf32> to vector<16x128xf32>
    %slice3A_199 = vector.extract_strided_slice %get3A_1 {offsets = [0, 16128], sizes = [16, 128], strides = [1, 1]} : vector<16x65536xf32> to vector<16x128xf32>
    %slice3A_200 = vector.extract_strided_slice %get3A_1 {offsets = [0, 16256], sizes = [16, 128], strides = [1, 1]} : vector<16x65536xf32> to vector<16x128xf32>
    %concatenate3A_201 = tpu.concatenate %slice3A_193, %slice3A_194, %slice3A_195, %slice3A_196, %slice3A_197, %slice3A_198, %slice3A_199, %slice3A_200 in 0 : vector<16x128xf32>, vector<16x128xf32>, vector<16x128xf32>, vector<16x128xf32>, vector<16x128xf32>, vector<16x128xf32>, vector<16x128xf32>, vector<16x128xf32> -> vector<128x128xf32>
    %transpose3A_202 = tpu.transpose %concatenate3A_201, [1, 0] : vector<128x128xf32> -> vector<128x128xf32>
    %swap3A_203 = arith.constant 1920 : index
    %swap3A_204 = arith.constant 0 : index
    %swap3A_205 = vector.load %arg2[%swap3A_203, %swap3A_204] : memref<8192x128xf32, #tpu.memory_space<vmem>>, vector<128x128xf32>
    tpu.vector_store %arg2[%swap3A_203, %swap3A_204], %transpose3A_202 {strides = array<i32>} : memref<8192x128xf32, #tpu.memory_space<vmem>>, vector<128x128xf32>,
    %slice3A_206 = vector.extract_strided_slice %get3A_1 {offsets = [0, 16384], sizes = [16, 128], strides = [1, 1]} : vector<16x65536xf32> to vector<16x128xf32>
    %slice3A_207 = vector.extract_strided_slice %get3A_1 {offsets = [0, 16512], sizes = [16, 128], strides = [1, 1]} : vector<16x65536xf32> to vector<16x128xf32>
    %slice3A_208 = vector.extract_strided_slice %get3A_1 {offsets = [0, 16640], sizes = [16, 128], strides = [1, 1]} : vector<16x65536xf32> to vector<16x128xf32>
    %slice3A_209 = vector.extract_strided_slice %get3A_1 {offsets = [0, 16768], sizes = [16, 128], strides = [1, 1]} : vector<16x65536xf32> to vector<16x128xf32>
    %slice3A_210 = vector.extract_strided_slice %get3A_1 {offsets = [0, 16896], sizes = [16, 128], strides = [1, 1]} : vector<16x65536xf32> to vector<16x128xf32>
    %slice3A_211 = vector.extract_strided_slice %get3A_1 {offsets = [0, 17024], sizes = [16, 128], strides = [1, 1]} : vector<16x65536xf32> to vector<16x128xf32>
    %slice3A_212 = vector.extract_strided_slice %get3A_1 {offsets = [0, 17152], sizes = [16, 128], strides = [1, 1]} : vector<16x65536xf32> to vector<16x128xf32>
    %slice3A_213 = vector.extract_strided_slice %get3A_1 {offsets = [0, 17280], sizes = [16, 128], strides = [1, 1]} : vector<16x65536xf32> to vector<16x128xf32>
    %concatenate3A_214 = tpu.concatenate %slice3A_206, %slice3A_207, %slice3A_208, %slice3A_209, %slice3A_210, %slice3A_211, %slice3A_212, %slice3A_213 in 0 : vector<16x128xf32>, vector<16x128xf32>, vector<16x128xf32>, vector<16x128xf32>, vector<16x128xf32>, vector<16x128xf32>, vector<16x128xf32>, vector<16x128xf32> -> vector<128x128xf32>
    %transpose3A_215 = tpu.transpose %concatenate3A_214, [1, 0] : vector<128x128xf32> -> vector<128x128xf32>
    %swap3A_216 = arith.constant 2048 : index
    %swap3A_217 = arith.constant 0 : index
    %swap3A_218 = vector.load %arg2[%swap3A_216, %swap3A_217] : memref<8192x128xf32, #tpu.memory_space<vmem>>, vector<128x128xf32>
    tpu.vector_store %arg2[%swap3A_216, %swap3A_217], %transpose3A_215 {strides = array<i32>} : memref<8192x128xf32, #tpu.memory_space<vmem>>, vector<128x128xf32>,
    %slice3A_219 = vector.extract_strided_slice %get3A_1 {offsets = [0, 17408], sizes = [16, 128], strides = [1, 1]} : vector<16x65536xf32> to vector<16x128xf32>
    %slice3A_220 = vector.extract_strided_slice %get3A_1 {offsets = [0, 17536], sizes = [16, 128], strides = [1, 1]} : vector<16x65536xf32> to vector<16x128xf32>
    %slice3A_221 = vector.extract_strided_slice %get3A_1 {offsets = [0, 17664], sizes = [16, 128], strides = [1, 1]} : vector<16x65536xf32> to vector<16x128xf32>
    %slice3A_222 = vector.extract_strided_slice %get3A_1 {offsets = [0, 17792], sizes = [16, 128], strides = [1, 1]} : vector<16x65536xf32> to vector<16x128xf32>
    %slice3A_223 = vector.extract_strided_slice %get3A_1 {offsets = [0, 17920], sizes = [16, 128], strides = [1, 1]} : vector<16x65536xf32> to vector<16x128xf32>
    %slice3A_224 = vector.extract_strided_slice %get3A_1 {offsets = [0, 18048], sizes = [16, 128], strides = [1, 1]} : vector<16x65536xf32> to vector<16x128xf32>
    %slice3A_225 = vector.extract_strided_slice %get3A_1 {offsets = [0, 18176], sizes = [16, 128], strides = [1, 1]} : vector<16x65536xf32> to vector<16x128xf32>
    %slice3A_226 = vector.extract_strided_slice %get3A_1 {offsets = [0, 18304], sizes = [16, 128], strides = [1, 1]} : vector<16x65536xf32> to vector<16x128xf32>
    %concatenate3A_227 = tpu.concatenate %slice3A_219, %slice3A_220, %slice3A_221, %slice3A_222, %slice3A_223, %slice3A_224, %slice3A_225, %slice3A_226 in 0 : vector<16x128xf32>, vector<16x128xf32>, vector<16x128xf32>, vector<16x128xf32>, vector<16x128xf32>, vector<16x128xf32>, vector<16x128xf32>, vector<16x128xf32> -> vector<128x128xf32>
    %transpose3A_228 = tpu.transpose %concatenate3A_227, [1, 0] : vector<128x128xf32> -> vector<128x128xf32>
    %swap3A_229 = arith.constant 2176 : index
    %swap3A_230 = arith.constant 0 : index
    %swap3A_231 = vector.load %arg2[%swap3A_229, %swap3A_230] : memref<8192x128xf32, #tpu.memory_space<vmem>>, vector<128x128xf32>
    tpu.vector_store %arg2[%swap3A_229, %swap3A_230], %transpose3A_228 {strides = array<i32>} : memref<8192x128xf32, #tpu.memory_space<vmem>>, vector<128x128xf32>,
    %slice3A_232 = vector.extract_strided_slice %get3A_1 {offsets = [0, 18432], sizes = [16, 128], strides = [1, 1]} : vector<16x65536xf32> to vector<16x128xf32>
    %slice3A_233 = vector.extract_strided_slice %get3A_1 {offsets = [0, 18560], sizes = [16, 128], strides = [1, 1]} : vector<16x65536xf32> to vector<16x128xf32>
    %slice3A_234 = vector.extract_strided_slice %get3A_1 {offsets = [0, 18688], sizes = [16, 128], strides = [1, 1]} : vector<16x65536xf32> to vector<16x128xf32>
    %slice3A_235 = vector.extract_strided_slice %get3A_1 {offsets = [0, 18816], sizes = [16, 128], strides = [1, 1]} : vector<16x65536xf32> to vector<16x128xf32>
    %slice3A_236 = vector.extract_strided_slice %get3A_1 {offsets = [0, 18944], sizes = [16, 128], strides = [1, 1]} : vector<16x65536xf32> to vector<16x128xf32>
    %slice3A_237 = vector.extract_strided_slice %get3A_1 {offsets = [0, 19072], sizes = [16, 128], strides = [1, 1]} : vector<16x65536xf32> to vector<16x128xf32>
    %slice3A_238 = vector.extract_strided_slice %get3A_1 {offsets = [0, 19200], sizes = [16, 128], strides = [1, 1]} : vector<16x65536xf32> to vector<16x128xf32>
    %slice3A_239 = vector.extract_strided_slice %get3A_1 {offsets = [0, 19328], sizes = [16, 128], strides = [1, 1]} : vector<16x65536xf32> to vector<16x128xf32>
    %concatenate3A_240 = tpu.concatenate %slice3A_232, %slice3A_233, %slice3A_234, %slice3A_235, %slice3A_236, %slice3A_237, %slice3A_238, %slice3A_239 in 0 : vector<16x128xf32>, vector<16x128xf32>, vector<16x128xf32>, vector<16x128xf32>, vector<16x128xf32>, vector<16x128xf32>, vector<16x128xf32>, vector<16x128xf32> -> vector<128x128xf32>
    %transpose3A_241 = tpu.transpose %concatenate3A_240, [1, 0] : vector<128x128xf32> -> vector<128x128xf32>
    %swap3A_242 = arith.constant 2304 : index
    %swap3A_243 = arith.constant 0 : index
    %swap3A_244 = vector.load %arg2[%swap3A_242, %swap3A_243] : memref<8192x128xf32, #tpu.memory_space<vmem>>, vector<128x128xf32>
    tpu.vector_store %arg2[%swap3A_242, %swap3A_243], %transpose3A_241 {strides = array<i32>} : memref<8192x128xf32, #tpu.memory_space<vmem>>, vector<128x128xf32>,
    %slice3A_245 = vector.extract_strided_slice %get3A_1 {offsets = [0, 19456], sizes = [16, 128], strides = [1, 1]} : vector<16x65536xf32> to vector<16x128xf32>
    %slice3A_246 = vector.extract_strided_slice %get3A_1 {offsets = [0, 19584], sizes = [16, 128], strides = [1, 1]} : vector<16x65536xf32> to vector<16x128xf32>
    %slice3A_247 = vector.extract_strided_slice %get3A_1 {offsets = [0, 19712], sizes = [16, 128], strides = [1, 1]} : vector<16x65536xf32> to vector<16x128xf32>
    %slice3A_248 = vector.extract_strided_slice %get3A_1 {offsets = [0, 19840], sizes = [16, 128], strides = [1, 1]} : vector<16x65536xf32> to vector<16x128xf32>
    %slice3A_249 = vector.extract_strided_slice %get3A_1 {offsets = [0, 19968], sizes = [16, 128], strides = [1, 1]} : vector<16x65536xf32> to vector<16x128xf32>
    %slice3A_250 = vector.extract_strided_slice %get3A_1 {offsets = [0, 20096], sizes = [16, 128], strides = [1, 1]} : vector<16x65536xf32> to vector<16x128xf32>
    %slice3A_251 = vector.extract_strided_slice %get3A_1 {offsets = [0, 20224], sizes = [16, 128], strides = [1, 1]} : vector<16x65536xf32> to vector<16x128xf32>
    %slice3A_252 = vector.extract_strided_slice %get3A_1 {offsets = [0, 20352], sizes = [16, 128], strides = [1, 1]} : vector<16x65536xf32> to vector<16x128xf32>
    %concatenate3A_253 = tpu.concatenate %slice3A_245, %slice3A_246, %slice3A_247, %slice3A_248, %slice3A_249, %slice3A_250, %slice3A_251, %slice3A_252 in 0 : vector<16x128xf32>, vector<16x128xf32>, vector<16x128xf32>, vector<16x128xf32>, vector<16x128xf32>, vector<16x128xf32>, vector<16x128xf32>, vector<16x128xf32> -> vector<128x128xf32>
    %transpose3A_254 = tpu.transpose %concatenate3A_253, [1, 0] : vector<128x128xf32> -> vector<128x128xf32>
    %swap3A_255 = arith.constant 2432 : index
    %swap3A_256 = arith.constant 0 : index
    %swap3A_257 = vector.load %arg2[%swap3A_255, %swap3A_256] : memref<8192x128xf32, #tpu.memory_space<vmem>>, vector<128x128xf32>
    tpu.vector_store %arg2[%swap3A_255, %swap3A_256], %transpose3A_254 {strides = array<i32>} : memref<8192x128xf32, #tpu.memory_space<vmem>>, vector<128x128xf32>,
    %slice3A_258 = vector.extract_strided_slice %get3A_1 {offsets = [0, 20480], sizes = [16, 128], strides = [1, 1]} : vector<16x65536xf32> to vector<16x128xf32>
    %slice3A_259 = vector.extract_strided_slice %get3A_1 {offsets = [0, 20608], sizes = [16, 128], strides = [1, 1]} : vector<16x65536xf32> to vector<16x128xf32>
    %slice3A_260 = vector.extract_strided_slice %get3A_1 {offsets = [0, 20736], sizes = [16, 128], strides = [1, 1]} : vector<16x65536xf32> to vector<16x128xf32>
    %slice3A_261 = vector.extract_strided_slice %get3A_1 {offsets = [0, 20864], sizes = [16, 128], strides = [1, 1]} : vector<16x65536xf32> to vector<16x128xf32>
    %slice3A_262 = vector.extract_strided_slice %get3A_1 {offsets = [0, 20992], sizes = [16, 128], strides = [1, 1]} : vector<16x65536xf32> to vector<16x128xf32>
    %slice3A_263 = vector.extract_strided_slice %get3A_1 {offsets = [0, 21120], sizes = [16, 128], strides = [1, 1]} : vector<16x65536xf32> to vector<16x128xf32>
    %slice3A_264 = vector.extract_strided_slice %get3A_1 {offsets = [0, 21248], sizes = [16, 128], strides = [1, 1]} : vector<16x65536xf32> to vector<16x128xf32>
    %slice3A_265 = vector.extract_strided_slice %get3A_1 {offsets = [0, 21376], sizes = [16, 128], strides = [1, 1]} : vector<16x65536xf32> to vector<16x128xf32>
    %concatenate3A_266 = tpu.concatenate %slice3A_258, %slice3A_259, %slice3A_260, %slice3A_261, %slice3A_262, %slice3A_263, %slice3A_264, %slice3A_265 in 0 : vector<16x128xf32>, vector<16x128xf32>, vector<16x128xf32>, vector<16x128xf32>, vector<16x128xf32>, vector<16x128xf32>, vector<16x128xf32>, vector<16x128xf32> -> vector<128x128xf32>
    %transpose3A_267 = tpu.transpose %concatenate3A_266, [1, 0] : vector<128x128xf32> -> vector<128x128xf32>
    %swap3A_268 = arith.constant 2560 : index
    %swap3A_269 = arith.constant 0 : index
    %swap3A_270 = vector.load %arg2[%swap3A_268, %swap3A_269] : memref<8192x128xf32, #tpu.memory_space<vmem>>, vector<128x128xf32>
    tpu.vector_store %arg2[%swap3A_268, %swap3A_269], %transpose3A_267 {strides = array<i32>} : memref<8192x128xf32, #tpu.memory_space<vmem>>, vector<128x128xf32>,
    %slice3A_271 = vector.extract_strided_slice %get3A_1 {offsets = [0, 21504], sizes = [16, 128], strides = [1, 1]} : vector<16x65536xf32> to vector<16x128xf32>
    %slice3A_272 = vector.extract_strided_slice %get3A_1 {offsets = [0, 21632], sizes = [16, 128], strides = [1, 1]} : vector<16x65536xf32> to vector<16x128xf32>
    %slice3A_273 = vector.extract_strided_slice %get3A_1 {offsets = [0, 21760], sizes = [16, 128], strides = [1, 1]} : vector<16x65536xf32> to vector<16x128xf32>
    %slice3A_274 = vector.extract_strided_slice %get3A_1 {offsets = [0, 21888], sizes = [16, 128], strides = [1, 1]} : vector<16x65536xf32> to vector<16x128xf32>
    %slice3A_275 = vector.extract_strided_slice %get3A_1 {offsets = [0, 22016], sizes = [16, 128], strides = [1, 1]} : vector<16x65536xf32> to vector<16x128xf32>
    %slice3A_276 = vector.extract_strided_slice %get3A_1 {offsets = [0, 22144], sizes = [16, 128], strides = [1, 1]} : vector<16x65536xf32> to vector<16x128xf32>
    %slice3A_277 = vector.extract_strided_slice %get3A_1 {offsets = [0, 22272], sizes = [16, 128], strides = [1, 1]} : vector<16x65536xf32> to vector<16x128xf32>
    %slice3A_278 = vector.extract_strided_slice %get3A_1 {offsets = [0, 22400], sizes = [16, 128], strides = [1, 1]} : vector<16x65536xf32> to vector<16x128xf32>
    %concatenate3A_279 = tpu.concatenate %slice3A_271, %slice3A_272, %slice3A_273, %slice3A_274, %slice3A_275, %slice3A_276, %slice3A_277, %slice3A_278 in 0 : vector<16x128xf32>, vector<16x128xf32>, vector<16x128xf32>, vector<16x128xf32>, vector<16x128xf32>, vector<16x128xf32>, vector<16x128xf32>, vector<16x128xf32> -> vector<128x128xf32>
    %transpose3A_280 = tpu.transpose %concatenate3A_279, [1, 0] : vector<128x128xf32> -> vector<128x128xf32>
    %swap3A_281 = arith.constant 2688 : index
    %swap3A_282 = arith.constant 0 : index
    %swap3A_283 = vector.load %arg2[%swap3A_281, %swap3A_282] : memref<8192x128xf32, #tpu.memory_space<vmem>>, vector<128x128xf32>
    tpu.vector_store %arg2[%swap3A_281, %swap3A_282], %transpose3A_280 {strides = array<i32>} : memref<8192x128xf32, #tpu.memory_space<vmem>>, vector<128x128xf32>,
    %slice3A_284 = vector.extract_strided_slice %get3A_1 {offsets = [0, 22528], sizes = [16, 128], strides = [1, 1]} : vector<16x65536xf32> to vector<16x128xf32>
    %slice3A_285 = vector.extract_strided_slice %get3A_1 {offsets = [0, 22656], sizes = [16, 128], strides = [1, 1]} : vector<16x65536xf32> to vector<16x128xf32>
    %slice3A_286 = vector.extract_strided_slice %get3A_1 {offsets = [0, 22784], sizes = [16, 128], strides = [1, 1]} : vector<16x65536xf32> to vector<16x128xf32>
    %slice3A_287 = vector.extract_strided_slice %get3A_1 {offsets = [0, 22912], sizes = [16, 128], strides = [1, 1]} : vector<16x65536xf32> to vector<16x128xf32>
    %slice3A_288 = vector.extract_strided_slice %get3A_1 {offsets = [0, 23040], sizes = [16, 128], strides = [1, 1]} : vector<16x65536xf32> to vector<16x128xf32>
    %slice3A_289 = vector.extract_strided_slice %get3A_1 {offsets = [0, 23168], sizes = [16, 128], strides = [1, 1]} : vector<16x65536xf32> to vector<16x128xf32>
    %slice3A_290 = vector.extract_strided_slice %get3A_1 {offsets = [0, 23296], sizes = [16, 128], strides = [1, 1]} : vector<16x65536xf32> to vector<16x128xf32>
    %slice3A_291 = vector.extract_strided_slice %get3A_1 {offsets = [0, 23424], sizes = [16, 128], strides = [1, 1]} : vector<16x65536xf32> to vector<16x128xf32>
    %concatenate3A_292 = tpu.concatenate %slice3A_284, %slice3A_285, %slice3A_286, %slice3A_287, %slice3A_288, %slice3A_289, %slice3A_290, %slice3A_291 in 0 : vector<16x128xf32>, vector<16x128xf32>, vector<16x128xf32>, vector<16x128xf32>, vector<16x128xf32>, vector<16x128xf32>, vector<16x128xf32>, vector<16x128xf32> -> vector<128x128xf32>
    %transpose3A_293 = tpu.transpose %concatenate3A_292, [1, 0] : vector<128x128xf32> -> vector<128x128xf32>
    %swap3A_294 = arith.constant 2816 : index
    %swap3A_295 = arith.constant 0 : index
    %swap3A_296 = vector.load %arg2[%swap3A_294, %swap3A_295] : memref<8192x128xf32, #tpu.memory_space<vmem>>, vector<128x128xf32>
    tpu.vector_store %arg2[%swap3A_294, %swap3A_295], %transpose3A_293 {strides = array<i32>} : memref<8192x128xf32, #tpu.memory_space<vmem>>, vector<128x128xf32>,
    %slice3A_297 = vector.extract_strided_slice %get3A_1 {offsets = [0, 23552], sizes = [16, 128], strides = [1, 1]} : vector<16x65536xf32> to vector<16x128xf32>
    %slice3A_298 = vector.extract_strided_slice %get3A_1 {offsets = [0, 23680], sizes = [16, 128], strides = [1, 1]} : vector<16x65536xf32> to vector<16x128xf32>
    %slice3A_299 = vector.extract_strided_slice %get3A_1 {offsets = [0, 23808], sizes = [16, 128], strides = [1, 1]} : vector<16x65536xf32> to vector<16x128xf32>
    %slice3A_300 = vector.extract_strided_slice %get3A_1 {offsets = [0, 23936], sizes = [16, 128], strides = [1, 1]} : vector<16x65536xf32> to vector<16x128xf32>
    %slice3A_301 = vector.extract_strided_slice %get3A_1 {offsets = [0, 24064], sizes = [16, 128], strides = [1, 1]} : vector<16x65536xf32> to vector<16x128xf32>
    %slice3A_302 = vector.extract_strided_slice %get3A_1 {offsets = [0, 24192], sizes = [16, 128], strides = [1, 1]} : vector<16x65536xf32> to vector<16x128xf32>
    %slice3A_303 = vector.extract_strided_slice %get3A_1 {offsets = [0, 24320], sizes = [16, 128], strides = [1, 1]} : vector<16x65536xf32> to vector<16x128xf32>
    %slice3A_304 = vector.extract_strided_slice %get3A_1 {offsets = [0, 24448], sizes = [16, 128], strides = [1, 1]} : vector<16x65536xf32> to vector<16x128xf32>
    %concatenate3A_305 = tpu.concatenate %slice3A_297, %slice3A_298, %slice3A_299, %slice3A_300, %slice3A_301, %slice3A_302, %slice3A_303, %slice3A_304 in 0 : vector<16x128xf32>, vector<16x128xf32>, vector<16x128xf32>, vector<16x128xf32>, vector<16x128xf32>, vector<16x128xf32>, vector<16x128xf32>, vector<16x128xf32> -> vector<128x128xf32>
    %transpose3A_306 = tpu.transpose %concatenate3A_305, [1, 0] : vector<128x128xf32> -> vector<128x128xf32>
    %swap3A_307 = arith.constant 2944 : index
    %swap3A_308 = arith.constant 0 : index
    %swap3A_309 = vector.load %arg2[%swap3A_307, %swap3A_308] : memref<8192x128xf32, #tpu.memory_space<vmem>>, vector<128x128xf32>
    tpu.vector_store %arg2[%swap3A_307, %swap3A_308], %transpose3A_306 {strides = array<i32>} : memref<8192x128xf32, #tpu.memory_space<vmem>>, vector<128x128xf32>,
    %slice3A_310 = vector.extract_strided_slice %get3A_1 {offsets = [0, 24576], sizes = [16, 128], strides = [1, 1]} : vector<16x65536xf32> to vector<16x128xf32>
    %slice3A_311 = vector.extract_strided_slice %get3A_1 {offsets = [0, 24704], sizes = [16, 128], strides = [1, 1]} : vector<16x65536xf32> to vector<16x128xf32>
    %slice3A_312 = vector.extract_strided_slice %get3A_1 {offsets = [0, 24832], sizes = [16, 128], strides = [1, 1]} : vector<16x65536xf32> to vector<16x128xf32>
    %slice3A_313 = vector.extract_strided_slice %get3A_1 {offsets = [0, 24960], sizes = [16, 128], strides = [1, 1]} : vector<16x65536xf32> to vector<16x128xf32>
    %slice3A_314 = vector.extract_strided_slice %get3A_1 {offsets = [0, 25088], sizes = [16, 128], strides = [1, 1]} : vector<16x65536xf32> to vector<16x128xf32>
    %slice3A_315 = vector.extract_strided_slice %get3A_1 {offsets = [0, 25216], sizes = [16, 128], strides = [1, 1]} : vector<16x65536xf32> to vector<16x128xf32>
    %slice3A_316 = vector.extract_strided_slice %get3A_1 {offsets = [0, 25344], sizes = [16, 128], strides = [1, 1]} : vector<16x65536xf32> to vector<16x128xf32>
    %slice3A_317 = vector.extract_strided_slice %get3A_1 {offsets = [0, 25472], sizes = [16, 128], strides = [1, 1]} : vector<16x65536xf32> to vector<16x128xf32>
    %concatenate3A_318 = tpu.concatenate %slice3A_310, %slice3A_311, %slice3A_312, %slice3A_313, %slice3A_314, %slice3A_315, %slice3A_316, %slice3A_317 in 0 : vector<16x128xf32>, vector<16x128xf32>, vector<16x128xf32>, vector<16x128xf32>, vector<16x128xf32>, vector<16x128xf32>, vector<16x128xf32>, vector<16x128xf32> -> vector<128x128xf32>
    %transpose3A_319 = tpu.transpose %concatenate3A_318, [1, 0] : vector<128x128xf32> -> vector<128x128xf32>
    %swap3A_320 = arith.constant 3072 : index
    %swap3A_321 = arith.constant 0 : index
    %swap3A_322 = vector.load %arg2[%swap3A_320, %swap3A_321] : memref<8192x128xf32, #tpu.memory_space<vmem>>, vector<128x128xf32>
    tpu.vector_store %arg2[%swap3A_320, %swap3A_321], %transpose3A_319 {strides = array<i32>} : memref<8192x128xf32, #tpu.memory_space<vmem>>, vector<128x128xf32>,
    %slice3A_323 = vector.extract_strided_slice %get3A_1 {offsets = [0, 25600], sizes = [16, 128], strides = [1, 1]} : vector<16x65536xf32> to vector<16x128xf32>
    %slice3A_324 = vector.extract_strided_slice %get3A_1 {offsets = [0, 25728], sizes = [16, 128], strides = [1, 1]} : vector<16x65536xf32> to vector<16x128xf32>
    %slice3A_325 = vector.extract_strided_slice %get3A_1 {offsets = [0, 25856], sizes = [16, 128], strides = [1, 1]} : vector<16x65536xf32> to vector<16x128xf32>
    %slice3A_326 = vector.extract_strided_slice %get3A_1 {offsets = [0, 25984], sizes = [16, 128], strides = [1, 1]} : vector<16x65536xf32> to vector<16x128xf32>
    %slice3A_327 = vector.extract_strided_slice %get3A_1 {offsets = [0, 26112], sizes = [16, 128], strides = [1, 1]} : vector<16x65536xf32> to vector<16x128xf32>
    %slice3A_328 = vector.extract_strided_slice %get3A_1 {offsets = [0, 26240], sizes = [16, 128], strides = [1, 1]} : vector<16x65536xf32> to vector<16x128xf32>
    %slice3A_329 = vector.extract_strided_slice %get3A_1 {offsets = [0, 26368], sizes = [16, 128], strides = [1, 1]} : vector<16x65536xf32> to vector<16x128xf32>
    %slice3A_330 = vector.extract_strided_slice %get3A_1 {offsets = [0, 26496], sizes = [16, 128], strides = [1, 1]} : vector<16x65536xf32> to vector<16x128xf32>
    %concatenate3A_331 = tpu.concatenate %slice3A_323, %slice3A_324, %slice3A_325, %slice3A_326, %slice3A_327, %slice3A_328, %slice3A_329, %slice3A_330 in 0 : vector<16x128xf32>, vector<16x128xf32>, vector<16x128xf32>, vector<16x128xf32>, vector<16x128xf32>, vector<16x128xf32>, vector<16x128xf32>, vector<16x128xf32> -> vector<128x128xf32>
    %transpose3A_332 = tpu.transpose %concatenate3A_331, [1, 0] : vector<128x128xf32> -> vector<128x128xf32>
    %swap3A_333 = arith.constant 3200 : index
    %swap3A_334 = arith.constant 0 : index
    %swap3A_335 = vector.load %arg2[%swap3A_333, %swap3A_334] : memref<8192x128xf32, #tpu.memory_space<vmem>>, vector<128x128xf32>
    tpu.vector_store %arg2[%swap3A_333, %swap3A_334], %transpose3A_332 {strides = array<i32>} : memref<8192x128xf32, #tpu.memory_space<vmem>>, vector<128x128xf32>,
    %slice3A_336 = vector.extract_strided_slice %get3A_1 {offsets = [0, 26624], sizes = [16, 128], strides = [1, 1]} : vector<16x65536xf32> to vector<16x128xf32>
    %slice3A_337 = vector.extract_strided_slice %get3A_1 {offsets = [0, 26752], sizes = [16, 128], strides = [1, 1]} : vector<16x65536xf32> to vector<16x128xf32>
    %slice3A_338 = vector.extract_strided_slice %get3A_1 {offsets = [0, 26880], sizes = [16, 128], strides = [1, 1]} : vector<16x65536xf32> to vector<16x128xf32>
    %slice3A_339 = vector.extract_strided_slice %get3A_1 {offsets = [0, 27008], sizes = [16, 128], strides = [1, 1]} : vector<16x65536xf32> to vector<16x128xf32>
    %slice3A_340 = vector.extract_strided_slice %get3A_1 {offsets = [0, 27136], sizes = [16, 128], strides = [1, 1]} : vector<16x65536xf32> to vector<16x128xf32>
    %slice3A_341 = vector.extract_strided_slice %get3A_1 {offsets = [0, 27264], sizes = [16, 128], strides = [1, 1]} : vector<16x65536xf32> to vector<16x128xf32>
    %slice3A_342 = vector.extract_strided_slice %get3A_1 {offsets = [0, 27392], sizes = [16, 128], strides = [1, 1]} : vector<16x65536xf32> to vector<16x128xf32>
    %slice3A_343 = vector.extract_strided_slice %get3A_1 {offsets = [0, 27520], sizes = [16, 128], strides = [1, 1]} : vector<16x65536xf32> to vector<16x128xf32>
    %concatenate3A_344 = tpu.concatenate %slice3A_336, %slice3A_337, %slice3A_338, %slice3A_339, %slice3A_340, %slice3A_341, %slice3A_342, %slice3A_343 in 0 : vector<16x128xf32>, vector<16x128xf32>, vector<16x128xf32>, vector<16x128xf32>, vector<16x128xf32>, vector<16x128xf32>, vector<16x128xf32>, vector<16x128xf32> -> vector<128x128xf32>
    %transpose3A_345 = tpu.transpose %concatenate3A_344, [1, 0] : vector<128x128xf32> -> vector<128x128xf32>
    %swap3A_346 = arith.constant 3328 : index
    %swap3A_347 = arith.constant 0 : index
    %swap3A_348 = vector.load %arg2[%swap3A_346, %swap3A_347] : memref<8192x128xf32, #tpu.memory_space<vmem>>, vector<128x128xf32>
    tpu.vector_store %arg2[%swap3A_346, %swap3A_347], %transpose3A_345 {strides = array<i32>} : memref<8192x128xf32, #tpu.memory_space<vmem>>, vector<128x128xf32>,
    %slice3A_349 = vector.extract_strided_slice %get3A_1 {offsets = [0, 27648], sizes = [16, 128], strides = [1, 1]} : vector<16x65536xf32> to vector<16x128xf32>
    %slice3A_350 = vector.extract_strided_slice %get3A_1 {offsets = [0, 27776], sizes = [16, 128], strides = [1, 1]} : vector<16x65536xf32> to vector<16x128xf32>
    %slice3A_351 = vector.extract_strided_slice %get3A_1 {offsets = [0, 27904], sizes = [16, 128], strides = [1, 1]} : vector<16x65536xf32> to vector<16x128xf32>
    %slice3A_352 = vector.extract_strided_slice %get3A_1 {offsets = [0, 28032], sizes = [16, 128], strides = [1, 1]} : vector<16x65536xf32> to vector<16x128xf32>
    %slice3A_353 = vector.extract_strided_slice %get3A_1 {offsets = [0, 28160], sizes = [16, 128], strides = [1, 1]} : vector<16x65536xf32> to vector<16x128xf32>
    %slice3A_354 = vector.extract_strided_slice %get3A_1 {offsets = [0, 28288], sizes = [16, 128], strides = [1, 1]} : vector<16x65536xf32> to vector<16x128xf32>
    %slice3A_355 = vector.extract_strided_slice %get3A_1 {offsets = [0, 28416], sizes = [16, 128], strides = [1, 1]} : vector<16x65536xf32> to vector<16x128xf32>
    %slice3A_356 = vector.extract_strided_slice %get3A_1 {offsets = [0, 28544], sizes = [16, 128], strides = [1, 1]} : vector<16x65536xf32> to vector<16x128xf32>
    %concatenate3A_357 = tpu.concatenate %slice3A_349, %slice3A_350, %slice3A_351, %slice3A_352, %slice3A_353, %slice3A_354, %slice3A_355, %slice3A_356 in 0 : vector<16x128xf32>, vector<16x128xf32>, vector<16x128xf32>, vector<16x128xf32>, vector<16x128xf32>, vector<16x128xf32>, vector<16x128xf32>, vector<16x128xf32> -> vector<128x128xf32>
    %transpose3A_358 = tpu.transpose %concatenate3A_357, [1, 0] : vector<128x128xf32> -> vector<128x128xf32>
    %swap3A_359 = arith.constant 3456 : index
    %swap3A_360 = arith.constant 0 : index
    %swap3A_361 = vector.load %arg2[%swap3A_359, %swap3A_360] : memref<8192x128xf32, #tpu.memory_space<vmem>>, vector<128x128xf32>
    tpu.vector_store %arg2[%swap3A_359, %swap3A_360], %transpose3A_358 {strides = array<i32>} : memref<8192x128xf32, #tpu.memory_space<vmem>>, vector<128x128xf32>,
    %slice3A_362 = vector.extract_strided_slice %get3A_1 {offsets = [0, 28672], sizes = [16, 128], strides = [1, 1]} : vector<16x65536xf32> to vector<16x128xf32>
    %slice3A_363 = vector.extract_strided_slice %get3A_1 {offsets = [0, 28800], sizes = [16, 128], strides = [1, 1]} : vector<16x65536xf32> to vector<16x128xf32>
    %slice3A_364 = vector.extract_strided_slice %get3A_1 {offsets = [0, 28928], sizes = [16, 128], strides = [1, 1]} : vector<16x65536xf32> to vector<16x128xf32>
    %slice3A_365 = vector.extract_strided_slice %get3A_1 {offsets = [0, 29056], sizes = [16, 128], strides = [1, 1]} : vector<16x65536xf32> to vector<16x128xf32>
    %slice3A_366 = vector.extract_strided_slice %get3A_1 {offsets = [0, 29184], sizes = [16, 128], strides = [1, 1]} : vector<16x65536xf32> to vector<16x128xf32>
    %slice3A_367 = vector.extract_strided_slice %get3A_1 {offsets = [0, 29312], sizes = [16, 128], strides = [1, 1]} : vector<16x65536xf32> to vector<16x128xf32>
    %slice3A_368 = vector.extract_strided_slice %get3A_1 {offsets = [0, 29440], sizes = [16, 128], strides = [1, 1]} : vector<16x65536xf32> to vector<16x128xf32>
    %slice3A_369 = vector.extract_strided_slice %get3A_1 {offsets = [0, 29568], sizes = [16, 128], strides = [1, 1]} : vector<16x65536xf32> to vector<16x128xf32>
    %concatenate3A_370 = tpu.concatenate %slice3A_362, %slice3A_363, %slice3A_364, %slice3A_365, %slice3A_366, %slice3A_367, %slice3A_368, %slice3A_369 in 0 : vector<16x128xf32>, vector<16x128xf32>, vector<16x128xf32>, vector<16x128xf32>, vector<16x128xf32>, vector<16x128xf32>, vector<16x128xf32>, vector<16x128xf32> -> vector<128x128xf32>
    %transpose3A_371 = tpu.transpose %concatenate3A_370, [1, 0] : vector<128x128xf32> -> vector<128x128xf32>
    %swap3A_372 = arith.constant 3584 : index
    %swap3A_373 = arith.constant 0 : index
    %swap3A_374 = vector.load %arg2[%swap3A_372, %swap3A_373] : memref<8192x128xf32, #tpu.memory_space<vmem>>, vector<128x128xf32>
    tpu.vector_store %arg2[%swap3A_372, %swap3A_373], %transpose3A_371 {strides = array<i32>} : memref<8192x128xf32, #tpu.memory_space<vmem>>, vector<128x128xf32>,
    %slice3A_375 = vector.extract_strided_slice %get3A_1 {offsets = [0, 29696], sizes = [16, 128], strides = [1, 1]} : vector<16x65536xf32> to vector<16x128xf32>
    %slice3A_376 = vector.extract_strided_slice %get3A_1 {offsets = [0, 29824], sizes = [16, 128], strides = [1, 1]} : vector<16x65536xf32> to vector<16x128xf32>
    %slice3A_377 = vector.extract_strided_slice %get3A_1 {offsets = [0, 29952], sizes = [16, 128], strides = [1, 1]} : vector<16x65536xf32> to vector<16x128xf32>
    %slice3A_378 = vector.extract_strided_slice %get3A_1 {offsets = [0, 30080], sizes = [16, 128], strides = [1, 1]} : vector<16x65536xf32> to vector<16x128xf32>
    %slice3A_379 = vector.extract_strided_slice %get3A_1 {offsets = [0, 30208], sizes = [16, 128], strides = [1, 1]} : vector<16x65536xf32> to vector<16x128xf32>
    %slice3A_380 = vector.extract_strided_slice %get3A_1 {offsets = [0, 30336], sizes = [16, 128], strides = [1, 1]} : vector<16x65536xf32> to vector<16x128xf32>
    %slice3A_381 = vector.extract_strided_slice %get3A_1 {offsets = [0, 30464], sizes = [16, 128], strides = [1, 1]} : vector<16x65536xf32> to vector<16x128xf32>
    %slice3A_382 = vector.extract_strided_slice %get3A_1 {offsets = [0, 30592], sizes = [16, 128], strides = [1, 1]} : vector<16x65536xf32> to vector<16x128xf32>
    %concatenate3A_383 = tpu.concatenate %slice3A_375, %slice3A_376, %slice3A_377, %slice3A_378, %slice3A_379, %slice3A_380, %slice3A_381, %slice3A_382 in 0 : vector<16x128xf32>, vector<16x128xf32>, vector<16x128xf32>, vector<16x128xf32>, vector<16x128xf32>, vector<16x128xf32>, vector<16x128xf32>, vector<16x128xf32> -> vector<128x128xf32>
    %transpose3A_384 = tpu.transpose %concatenate3A_383, [1, 0] : vector<128x128xf32> -> vector<128x128xf32>
    %swap3A_385 = arith.constant 3712 : index
    %swap3A_386 = arith.constant 0 : index
    %swap3A_387 = vector.load %arg2[%swap3A_385, %swap3A_386] : memref<8192x128xf32, #tpu.memory_space<vmem>>, vector<128x128xf32>
    tpu.vector_store %arg2[%swap3A_385, %swap3A_386], %transpose3A_384 {strides = array<i32>} : memref<8192x128xf32, #tpu.memory_space<vmem>>, vector<128x128xf32>,
    %slice3A_388 = vector.extract_strided_slice %get3A_1 {offsets = [0, 30720], sizes = [16, 128], strides = [1, 1]} : vector<16x65536xf32> to vector<16x128xf32>
    %slice3A_389 = vector.extract_strided_slice %get3A_1 {offsets = [0, 30848], sizes = [16, 128], strides = [1, 1]} : vector<16x65536xf32> to vector<16x128xf32>
    %slice3A_390 = vector.extract_strided_slice %get3A_1 {offsets = [0, 30976], sizes = [16, 128], strides = [1, 1]} : vector<16x65536xf32> to vector<16x128xf32>
    %slice3A_391 = vector.extract_strided_slice %get3A_1 {offsets = [0, 31104], sizes = [16, 128], strides = [1, 1]} : vector<16x65536xf32> to vector<16x128xf32>
    %slice3A_392 = vector.extract_strided_slice %get3A_1 {offsets = [0, 31232], sizes = [16, 128], strides = [1, 1]} : vector<16x65536xf32> to vector<16x128xf32>
    %slice3A_393 = vector.extract_strided_slice %get3A_1 {offsets = [0, 31360], sizes = [16, 128], strides = [1, 1]} : vector<16x65536xf32> to vector<16x128xf32>
    %slice3A_394 = vector.extract_strided_slice %get3A_1 {offsets = [0, 31488], sizes = [16, 128], strides = [1, 1]} : vector<16x65536xf32> to vector<16x128xf32>
    %slice3A_395 = vector.extract_strided_slice %get3A_1 {offsets = [0, 31616], sizes = [16, 128], strides = [1, 1]} : vector<16x65536xf32> to vector<16x128xf32>
    %concatenate3A_396 = tpu.concatenate %slice3A_388, %slice3A_389, %slice3A_390, %slice3A_391, %slice3A_392, %slice3A_393, %slice3A_394, %slice3A_395 in 0 : vector<16x128xf32>, vector<16x128xf32>, vector<16x128xf32>, vector<16x128xf32>, vector<16x128xf32>, vector<16x128xf32>, vector<16x128xf32>, vector<16x128xf32> -> vector<128x128xf32>
    %transpose3A_397 = tpu.transpose %concatenate3A_396, [1, 0] : vector<128x128xf32> -> vector<128x128xf32>
    %swap3A_398 = arith.constant 3840 : index
    %swap3A_399 = arith.constant 0 : index
    %swap3A_400 = vector.load %arg2[%swap3A_398, %swap3A_399] : memref<8192x128xf32, #tpu.memory_space<vmem>>, vector<128x128xf32>
    tpu.vector_store %arg2[%swap3A_398, %swap3A_399], %transpose3A_397 {strides = array<i32>} : memref<8192x128xf32, #tpu.memory_space<vmem>>, vector<128x128xf32>,
    %slice3A_401 = vector.extract_strided_slice %get3A_1 {offsets = [0, 31744], sizes = [16, 128], strides = [1, 1]} : vector<16x65536xf32> to vector<16x128xf32>
    %slice3A_402 = vector.extract_strided_slice %get3A_1 {offsets = [0, 31872], sizes = [16, 128], strides = [1, 1]} : vector<16x65536xf32> to vector<16x128xf32>
    %slice3A_403 = vector.extract_strided_slice %get3A_1 {offsets = [0, 32000], sizes = [16, 128], strides = [1, 1]} : vector<16x65536xf32> to vector<16x128xf32>
    %slice3A_404 = vector.extract_strided_slice %get3A_1 {offsets = [0, 32128], sizes = [16, 128], strides = [1, 1]} : vector<16x65536xf32> to vector<16x128xf32>
    %slice3A_405 = vector.extract_strided_slice %get3A_1 {offsets = [0, 32256], sizes = [16, 128], strides = [1, 1]} : vector<16x65536xf32> to vector<16x128xf32>
    %slice3A_406 = vector.extract_strided_slice %get3A_1 {offsets = [0, 32384], sizes = [16, 128], strides = [1, 1]} : vector<16x65536xf32> to vector<16x128xf32>
    %slice3A_407 = vector.extract_strided_slice %get3A_1 {offsets = [0, 32512], sizes = [16, 128], strides = [1, 1]} : vector<16x65536xf32> to vector<16x128xf32>
    %slice3A_408 = vector.extract_strided_slice %get3A_1 {offsets = [0, 32640], sizes = [16, 128], strides = [1, 1]} : vector<16x65536xf32> to vector<16x128xf32>
    %concatenate3A_409 = tpu.concatenate %slice3A_401, %slice3A_402, %slice3A_403, %slice3A_404, %slice3A_405, %slice3A_406, %slice3A_407, %slice3A_408 in 0 : vector<16x128xf32>, vector<16x128xf32>, vector<16x128xf32>, vector<16x128xf32>, vector<16x128xf32>, vector<16x128xf32>, vector<16x128xf32>, vector<16x128xf32> -> vector<128x128xf32>
    %transpose3A_410 = tpu.transpose %concatenate3A_409, [1, 0] : vector<128x128xf32> -> vector<128x128xf32>
    %swap3A_411 = arith.constant 3968 : index
    %swap3A_412 = arith.constant 0 : index
    %swap3A_413 = vector.load %arg2[%swap3A_411, %swap3A_412] : memref<8192x128xf32, #tpu.memory_space<vmem>>, vector<128x128xf32>
    tpu.vector_store %arg2[%swap3A_411, %swap3A_412], %transpose3A_410 {strides = array<i32>} : memref<8192x128xf32, #tpu.memory_space<vmem>>, vector<128x128xf32>,
    %slice3A_414 = vector.extract_strided_slice %get3A_1 {offsets = [0, 32768], sizes = [16, 128], strides = [1, 1]} : vector<16x65536xf32> to vector<16x128xf32>
    %slice3A_415 = vector.extract_strided_slice %get3A_1 {offsets = [0, 32896], sizes = [16, 128], strides = [1, 1]} : vector<16x65536xf32> to vector<16x128xf32>
    %slice3A_416 = vector.extract_strided_slice %get3A_1 {offsets = [0, 33024], sizes = [16, 128], strides = [1, 1]} : vector<16x65536xf32> to vector<16x128xf32>
    %slice3A_417 = vector.extract_strided_slice %get3A_1 {offsets = [0, 33152], sizes = [16, 128], strides = [1, 1]} : vector<16x65536xf32> to vector<16x128xf32>
    %slice3A_418 = vector.extract_strided_slice %get3A_1 {offsets = [0, 33280], sizes = [16, 128], strides = [1, 1]} : vector<16x65536xf32> to vector<16x128xf32>
    %slice3A_419 = vector.extract_strided_slice %get3A_1 {offsets = [0, 33408], sizes = [16, 128], strides = [1, 1]} : vector<16x65536xf32> to vector<16x128xf32>
    %slice3A_420 = vector.extract_strided_slice %get3A_1 {offsets = [0, 33536], sizes = [16, 128], strides = [1, 1]} : vector<16x65536xf32> to vector<16x128xf32>
    %slice3A_421 = vector.extract_strided_slice %get3A_1 {offsets = [0, 33664], sizes = [16, 128], strides = [1, 1]} : vector<16x65536xf32> to vector<16x128xf32>
    %concatenate3A_422 = tpu.concatenate %slice3A_414, %slice3A_415, %slice3A_416, %slice3A_417, %slice3A_418, %slice3A_419, %slice3A_420, %slice3A_421 in 0 : vector<16x128xf32>, vector<16x128xf32>, vector<16x128xf32>, vector<16x128xf32>, vector<16x128xf32>, vector<16x128xf32>, vector<16x128xf32>, vector<16x128xf32> -> vector<128x128xf32>
    %transpose3A_423 = tpu.transpose %concatenate3A_422, [1, 0] : vector<128x128xf32> -> vector<128x128xf32>
    %swap3A_424 = arith.constant 4096 : index
    %swap3A_425 = arith.constant 0 : index
    %swap3A_426 = vector.load %arg2[%swap3A_424, %swap3A_425] : memref<8192x128xf32, #tpu.memory_space<vmem>>, vector<128x128xf32>
    tpu.vector_store %arg2[%swap3A_424, %swap3A_425], %transpose3A_423 {strides = array<i32>} : memref<8192x128xf32, #tpu.memory_space<vmem>>, vector<128x128xf32>,
    %slice3A_427 = vector.extract_strided_slice %get3A_1 {offsets = [0, 33792], sizes = [16, 128], strides = [1, 1]} : vector<16x65536xf32> to vector<16x128xf32>
    %slice3A_428 = vector.extract_strided_slice %get3A_1 {offsets = [0, 33920], sizes = [16, 128], strides = [1, 1]} : vector<16x65536xf32> to vector<16x128xf32>
    %slice3A_429 = vector.extract_strided_slice %get3A_1 {offsets = [0, 34048], sizes = [16, 128], strides = [1, 1]} : vector<16x65536xf32> to vector<16x128xf32>
    %slice3A_430 = vector.extract_strided_slice %get3A_1 {offsets = [0, 34176], sizes = [16, 128], strides = [1, 1]} : vector<16x65536xf32> to vector<16x128xf32>
    %slice3A_431 = vector.extract_strided_slice %get3A_1 {offsets = [0, 34304], sizes = [16, 128], strides = [1, 1]} : vector<16x65536xf32> to vector<16x128xf32>
    %slice3A_432 = vector.extract_strided_slice %get3A_1 {offsets = [0, 34432], sizes = [16, 128], strides = [1, 1]} : vector<16x65536xf32> to vector<16x128xf32>
    %slice3A_433 = vector.extract_strided_slice %get3A_1 {offsets = [0, 34560], sizes = [16, 128], strides = [1, 1]} : vector<16x65536xf32> to vector<16x128xf32>
    %slice3A_434 = vector.extract_strided_slice %get3A_1 {offsets = [0, 34688], sizes = [16, 128], strides = [1, 1]} : vector<16x65536xf32> to vector<16x128xf32>
    %concatenate3A_435 = tpu.concatenate %slice3A_427, %slice3A_428, %slice3A_429, %slice3A_430, %slice3A_431, %slice3A_432, %slice3A_433, %slice3A_434 in 0 : vector<16x128xf32>, vector<16x128xf32>, vector<16x128xf32>, vector<16x128xf32>, vector<16x128xf32>, vector<16x128xf32>, vector<16x128xf32>, vector<16x128xf32> -> vector<128x128xf32>
    %transpose3A_436 = tpu.transpose %concatenate3A_435, [1, 0] : vector<128x128xf32> -> vector<128x128xf32>
    %swap3A_437 = arith.constant 4224 : index
    %swap3A_438 = arith.constant 0 : index
    %swap3A_439 = vector.load %arg2[%swap3A_437, %swap3A_438] : memref<8192x128xf32, #tpu.memory_space<vmem>>, vector<128x128xf32>
    tpu.vector_store %arg2[%swap3A_437, %swap3A_438], %transpose3A_436 {strides = array<i32>} : memref<8192x128xf32, #tpu.memory_space<vmem>>, vector<128x128xf32>,
    %slice3A_440 = vector.extract_strided_slice %get3A_1 {offsets = [0, 34816], sizes = [16, 128], strides = [1, 1]} : vector<16x65536xf32> to vector<16x128xf32>
    %slice3A_441 = vector.extract_strided_slice %get3A_1 {offsets = [0, 34944], sizes = [16, 128], strides = [1, 1]} : vector<16x65536xf32> to vector<16x128xf32>
    %slice3A_442 = vector.extract_strided_slice %get3A_1 {offsets = [0, 35072], sizes = [16, 128], strides = [1, 1]} : vector<16x65536xf32> to vector<16x128xf32>
    %slice3A_443 = vector.extract_strided_slice %get3A_1 {offsets = [0, 35200], sizes = [16, 128], strides = [1, 1]} : vector<16x65536xf32> to vector<16x128xf32>
    %slice3A_444 = vector.extract_strided_slice %get3A_1 {offsets = [0, 35328], sizes = [16, 128], strides = [1, 1]} : vector<16x65536xf32> to vector<16x128xf32>
    %slice3A_445 = vector.extract_strided_slice %get3A_1 {offsets = [0, 35456], sizes = [16, 128], strides = [1, 1]} : vector<16x65536xf32> to vector<16x128xf32>
    %slice3A_446 = vector.extract_strided_slice %get3A_1 {offsets = [0, 35584], sizes = [16, 128], strides = [1, 1]} : vector<16x65536xf32> to vector<16x128xf32>
    %slice3A_447 = vector.extract_strided_slice %get3A_1 {offsets = [0, 35712], sizes = [16, 128], strides = [1, 1]} : vector<16x65536xf32> to vector<16x128xf32>
    %concatenate3A_448 = tpu.concatenate %slice3A_440, %slice3A_441, %slice3A_442, %slice3A_443, %slice3A_444, %slice3A_445, %slice3A_446, %slice3A_447 in 0 : vector<16x128xf32>, vector<16x128xf32>, vector<16x128xf32>, vector<16x128xf32>, vector<16x128xf32>, vector<16x128xf32>, vector<16x128xf32>, vector<16x128xf32> -> vector<128x128xf32>
    %transpose3A_449 = tpu.transpose %concatenate3A_448, [1, 0] : vector<128x128xf32> -> vector<128x128xf32>
    %swap3A_450 = arith.constant 4352 : index
    %swap3A_451 = arith.constant 0 : index
    %swap3A_452 = vector.load %arg2[%swap3A_450, %swap3A_451] : memref<8192x128xf32, #tpu.memory_space<vmem>>, vector<128x128xf32>
    tpu.vector_store %arg2[%swap3A_450, %swap3A_451], %transpose3A_449 {strides = array<i32>} : memref<8192x128xf32, #tpu.memory_space<vmem>>, vector<128x128xf32>,
    %slice3A_453 = vector.extract_strided_slice %get3A_1 {offsets = [0, 35840], sizes = [16, 128], strides = [1, 1]} : vector<16x65536xf32> to vector<16x128xf32>
    %slice3A_454 = vector.extract_strided_slice %get3A_1 {offsets = [0, 35968], sizes = [16, 128], strides = [1, 1]} : vector<16x65536xf32> to vector<16x128xf32>
    %slice3A_455 = vector.extract_strided_slice %get3A_1 {offsets = [0, 36096], sizes = [16, 128], strides = [1, 1]} : vector<16x65536xf32> to vector<16x128xf32>
    %slice3A_456 = vector.extract_strided_slice %get3A_1 {offsets = [0, 36224], sizes = [16, 128], strides = [1, 1]} : vector<16x65536xf32> to vector<16x128xf32>
    %slice3A_457 = vector.extract_strided_slice %get3A_1 {offsets = [0, 36352], sizes = [16, 128], strides = [1, 1]} : vector<16x65536xf32> to vector<16x128xf32>
    %slice3A_458 = vector.extract_strided_slice %get3A_1 {offsets = [0, 36480], sizes = [16, 128], strides = [1, 1]} : vector<16x65536xf32> to vector<16x128xf32>
    %slice3A_459 = vector.extract_strided_slice %get3A_1 {offsets = [0, 36608], sizes = [16, 128], strides = [1, 1]} : vector<16x65536xf32> to vector<16x128xf32>
    %slice3A_460 = vector.extract_strided_slice %get3A_1 {offsets = [0, 36736], sizes = [16, 128], strides = [1, 1]} : vector<16x65536xf32> to vector<16x128xf32>
    %concatenate3A_461 = tpu.concatenate %slice3A_453, %slice3A_454, %slice3A_455, %slice3A_456, %slice3A_457, %slice3A_458, %slice3A_459, %slice3A_460 in 0 : vector<16x128xf32>, vector<16x128xf32>, vector<16x128xf32>, vector<16x128xf32>, vector<16x128xf32>, vector<16x128xf32>, vector<16x128xf32>, vector<16x128xf32> -> vector<128x128xf32>
    %transpose3A_462 = tpu.transpose %concatenate3A_461, [1, 0] : vector<128x128xf32> -> vector<128x128xf32>
    %swap3A_463 = arith.constant 4480 : index
    %swap3A_464 = arith.constant 0 : index
    %swap3A_465 = vector.load %arg2[%swap3A_463, %swap3A_464] : memref<8192x128xf32, #tpu.memory_space<vmem>>, vector<128x128xf32>
    tpu.vector_store %arg2[%swap3A_463, %swap3A_464], %transpose3A_462 {strides = array<i32>} : memref<8192x128xf32, #tpu.memory_space<vmem>>, vector<128x128xf32>,
    %slice3A_466 = vector.extract_strided_slice %get3A_1 {offsets = [0, 36864], sizes = [16, 128], strides = [1, 1]} : vector<16x65536xf32> to vector<16x128xf32>
    %slice3A_467 = vector.extract_strided_slice %get3A_1 {offsets = [0, 36992], sizes = [16, 128], strides = [1, 1]} : vector<16x65536xf32> to vector<16x128xf32>
    %slice3A_468 = vector.extract_strided_slice %get3A_1 {offsets = [0, 37120], sizes = [16, 128], strides = [1, 1]} : vector<16x65536xf32> to vector<16x128xf32>
    %slice3A_469 = vector.extract_strided_slice %get3A_1 {offsets = [0, 37248], sizes = [16, 128], strides = [1, 1]} : vector<16x65536xf32> to vector<16x128xf32>
    %slice3A_470 = vector.extract_strided_slice %get3A_1 {offsets = [0, 37376], sizes = [16, 128], strides = [1, 1]} : vector<16x65536xf32> to vector<16x128xf32>
    %slice3A_471 = vector.extract_strided_slice %get3A_1 {offsets = [0, 37504], sizes = [16, 128], strides = [1, 1]} : vector<16x65536xf32> to vector<16x128xf32>
    %slice3A_472 = vector.extract_strided_slice %get3A_1 {offsets = [0, 37632], sizes = [16, 128], strides = [1, 1]} : vector<16x65536xf32> to vector<16x128xf32>
    %slice3A_473 = vector.extract_strided_slice %get3A_1 {offsets = [0, 37760], sizes = [16, 128], strides = [1, 1]} : vector<16x65536xf32> to vector<16x128xf32>
    %concatenate3A_474 = tpu.concatenate %slice3A_466, %slice3A_467, %slice3A_468, %slice3A_469, %slice3A_470, %slice3A_471, %slice3A_472, %slice3A_473 in 0 : vector<16x128xf32>, vector<16x128xf32>, vector<16x128xf32>, vector<16x128xf32>, vector<16x128xf32>, vector<16x128xf32>, vector<16x128xf32>, vector<16x128xf32> -> vector<128x128xf32>
    %transpose3A_475 = tpu.transpose %concatenate3A_474, [1, 0] : vector<128x128xf32> -> vector<128x128xf32>
    %swap3A_476 = arith.constant 4608 : index
    %swap3A_477 = arith.constant 0 : index
    %swap3A_478 = vector.load %arg2[%swap3A_476, %swap3A_477] : memref<8192x128xf32, #tpu.memory_space<vmem>>, vector<128x128xf32>
    tpu.vector_store %arg2[%swap3A_476, %swap3A_477], %transpose3A_475 {strides = array<i32>} : memref<8192x128xf32, #tpu.memory_space<vmem>>, vector<128x128xf32>,
    %slice3A_479 = vector.extract_strided_slice %get3A_1 {offsets = [0, 37888], sizes = [16, 128], strides = [1, 1]} : vector<16x65536xf32> to vector<16x128xf32>
    %slice3A_480 = vector.extract_strided_slice %get3A_1 {offsets = [0, 38016], sizes = [16, 128], strides = [1, 1]} : vector<16x65536xf32> to vector<16x128xf32>
    %slice3A_481 = vector.extract_strided_slice %get3A_1 {offsets = [0, 38144], sizes = [16, 128], strides = [1, 1]} : vector<16x65536xf32> to vector<16x128xf32>
    %slice3A_482 = vector.extract_strided_slice %get3A_1 {offsets = [0, 38272], sizes = [16, 128], strides = [1, 1]} : vector<16x65536xf32> to vector<16x128xf32>
    %slice3A_483 = vector.extract_strided_slice %get3A_1 {offsets = [0, 38400], sizes = [16, 128], strides = [1, 1]} : vector<16x65536xf32> to vector<16x128xf32>
    %slice3A_484 = vector.extract_strided_slice %get3A_1 {offsets = [0, 38528], sizes = [16, 128], strides = [1, 1]} : vector<16x65536xf32> to vector<16x128xf32>
    %slice3A_485 = vector.extract_strided_slice %get3A_1 {offsets = [0, 38656], sizes = [16, 128], strides = [1, 1]} : vector<16x65536xf32> to vector<16x128xf32>
    %slice3A_486 = vector.extract_strided_slice %get3A_1 {offsets = [0, 38784], sizes = [16, 128], strides = [1, 1]} : vector<16x65536xf32> to vector<16x128xf32>
    %concatenate3A_487 = tpu.concatenate %slice3A_479, %slice3A_480, %slice3A_481, %slice3A_482, %slice3A_483, %slice3A_484, %slice3A_485, %slice3A_486 in 0 : vector<16x128xf32>, vector<16x128xf32>, vector<16x128xf32>, vector<16x128xf32>, vector<16x128xf32>, vector<16x128xf32>, vector<16x128xf32>, vector<16x128xf32> -> vector<128x128xf32>
    %transpose3A_488 = tpu.transpose %concatenate3A_487, [1, 0] : vector<128x128xf32> -> vector<128x128xf32>
    %swap3A_489 = arith.constant 4736 : index
    %swap3A_490 = arith.constant 0 : index
    %swap3A_491 = vector.load %arg2[%swap3A_489, %swap3A_490] : memref<8192x128xf32, #tpu.memory_space<vmem>>, vector<128x128xf32>
    tpu.vector_store %arg2[%swap3A_489, %swap3A_490], %transpose3A_488 {strides = array<i32>} : memref<8192x128xf32, #tpu.memory_space<vmem>>, vector<128x128xf32>,
    %slice3A_492 = vector.extract_strided_slice %get3A_1 {offsets = [0, 38912], sizes = [16, 128], strides = [1, 1]} : vector<16x65536xf32> to vector<16x128xf32>
    %slice3A_493 = vector.extract_strided_slice %get3A_1 {offsets = [0, 39040], sizes = [16, 128], strides = [1, 1]} : vector<16x65536xf32> to vector<16x128xf32>
    %slice3A_494 = vector.extract_strided_slice %get3A_1 {offsets = [0, 39168], sizes = [16, 128], strides = [1, 1]} : vector<16x65536xf32> to vector<16x128xf32>
    %slice3A_495 = vector.extract_strided_slice %get3A_1 {offsets = [0, 39296], sizes = [16, 128], strides = [1, 1]} : vector<16x65536xf32> to vector<16x128xf32>
    %slice3A_496 = vector.extract_strided_slice %get3A_1 {offsets = [0, 39424], sizes = [16, 128], strides = [1, 1]} : vector<16x65536xf32> to vector<16x128xf32>
    %slice3A_497 = vector.extract_strided_slice %get3A_1 {offsets = [0, 39552], sizes = [16, 128], strides = [1, 1]} : vector<16x65536xf32> to vector<16x128xf32>
    %slice3A_498 = vector.extract_strided_slice %get3A_1 {offsets = [0, 39680], sizes = [16, 128], strides = [1, 1]} : vector<16x65536xf32> to vector<16x128xf32>
    %slice3A_499 = vector.extract_strided_slice %get3A_1 {offsets = [0, 39808], sizes = [16, 128], strides = [1, 1]} : vector<16x65536xf32> to vector<16x128xf32>
    %concatenate3A_500 = tpu.concatenate %slice3A_492, %slice3A_493, %slice3A_494, %slice3A_495, %slice3A_496, %slice3A_497, %slice3A_498, %slice3A_499 in 0 : vector<16x128xf32>, vector<16x128xf32>, vector<16x128xf32>, vector<16x128xf32>, vector<16x128xf32>, vector<16x128xf32>, vector<16x128xf32>, vector<16x128xf32> -> vector<128x128xf32>
    %transpose3A_501 = tpu.transpose %concatenate3A_500, [1, 0] : vector<128x128xf32> -> vector<128x128xf32>
    %swap3A_502 = arith.constant 4864 : index
    %swap3A_503 = arith.constant 0 : index
    %swap3A_504 = vector.load %arg2[%swap3A_502, %swap3A_503] : memref<8192x128xf32, #tpu.memory_space<vmem>>, vector<128x128xf32>
    tpu.vector_store %arg2[%swap3A_502, %swap3A_503], %transpose3A_501 {strides = array<i32>} : memref<8192x128xf32, #tpu.memory_space<vmem>>, vector<128x128xf32>,
    %slice3A_505 = vector.extract_strided_slice %get3A_1 {offsets = [0, 39936], sizes = [16, 128], strides = [1, 1]} : vector<16x65536xf32> to vector<16x128xf32>
    %slice3A_506 = vector.extract_strided_slice %get3A_1 {offsets = [0, 40064], sizes = [16, 128], strides = [1, 1]} : vector<16x65536xf32> to vector<16x128xf32>
    %slice3A_507 = vector.extract_strided_slice %get3A_1 {offsets = [0, 40192], sizes = [16, 128], strides = [1, 1]} : vector<16x65536xf32> to vector<16x128xf32>
    %slice3A_508 = vector.extract_strided_slice %get3A_1 {offsets = [0, 40320], sizes = [16, 128], strides = [1, 1]} : vector<16x65536xf32> to vector<16x128xf32>
    %slice3A_509 = vector.extract_strided_slice %get3A_1 {offsets = [0, 40448], sizes = [16, 128], strides = [1, 1]} : vector<16x65536xf32> to vector<16x128xf32>
    %slice3A_510 = vector.extract_strided_slice %get3A_1 {offsets = [0, 40576], sizes = [16, 128], strides = [1, 1]} : vector<16x65536xf32> to vector<16x128xf32>
    %slice3A_511 = vector.extract_strided_slice %get3A_1 {offsets = [0, 40704], sizes = [16, 128], strides = [1, 1]} : vector<16x65536xf32> to vector<16x128xf32>
    %slice3A_512 = vector.extract_strided_slice %get3A_1 {offsets = [0, 40832], sizes = [16, 128], strides = [1, 1]} : vector<16x65536xf32> to vector<16x128xf32>
    %concatenate3A_513 = tpu.concatenate %slice3A_505, %slice3A_506, %slice3A_507, %slice3A_508, %slice3A_509, %slice3A_510, %slice3A_511, %slice3A_512 in 0 : vector<16x128xf32>, vector<16x128xf32>, vector<16x128xf32>, vector<16x128xf32>, vector<16x128xf32>, vector<16x128xf32>, vector<16x128xf32>, vector<16x128xf32> -> vector<128x128xf32>
    %transpose3A_514 = tpu.transpose %concatenate3A_513, [1, 0] : vector<128x128xf32> -> vector<128x128xf32>
    %swap3A_515 = arith.constant 4992 : index
    %swap3A_516 = arith.constant 0 : index
    %swap3A_517 = vector.load %arg2[%swap3A_515, %swap3A_516] : memref<8192x128xf32, #tpu.memory_space<vmem>>, vector<128x128xf32>
    tpu.vector_store %arg2[%swap3A_515, %swap3A_516], %transpose3A_514 {strides = array<i32>} : memref<8192x128xf32, #tpu.memory_space<vmem>>, vector<128x128xf32>,
    %slice3A_518 = vector.extract_strided_slice %get3A_1 {offsets = [0, 40960], sizes = [16, 128], strides = [1, 1]} : vector<16x65536xf32> to vector<16x128xf32>
    %slice3A_519 = vector.extract_strided_slice %get3A_1 {offsets = [0, 41088], sizes = [16, 128], strides = [1, 1]} : vector<16x65536xf32> to vector<16x128xf32>
    %slice3A_520 = vector.extract_strided_slice %get3A_1 {offsets = [0, 41216], sizes = [16, 128], strides = [1, 1]} : vector<16x65536xf32> to vector<16x128xf32>
    %slice3A_521 = vector.extract_strided_slice %get3A_1 {offsets = [0, 41344], sizes = [16, 128], strides = [1, 1]} : vector<16x65536xf32> to vector<16x128xf32>
    %slice3A_522 = vector.extract_strided_slice %get3A_1 {offsets = [0, 41472], sizes = [16, 128], strides = [1, 1]} : vector<16x65536xf32> to vector<16x128xf32>
    %slice3A_523 = vector.extract_strided_slice %get3A_1 {offsets = [0, 41600], sizes = [16, 128], strides = [1, 1]} : vector<16x65536xf32> to vector<16x128xf32>
    %slice3A_524 = vector.extract_strided_slice %get3A_1 {offsets = [0, 41728], sizes = [16, 128], strides = [1, 1]} : vector<16x65536xf32> to vector<16x128xf32>
    %slice3A_525 = vector.extract_strided_slice %get3A_1 {offsets = [0, 41856], sizes = [16, 128], strides = [1, 1]} : vector<16x65536xf32> to vector<16x128xf32>
    %concatenate3A_526 = tpu.concatenate %slice3A_518, %slice3A_519, %slice3A_520, %slice3A_521, %slice3A_522, %slice3A_523, %slice3A_524, %slice3A_525 in 0 : vector<16x128xf32>, vector<16x128xf32>, vector<16x128xf32>, vector<16x128xf32>, vector<16x128xf32>, vector<16x128xf32>, vector<16x128xf32>, vector<16x128xf32> -> vector<128x128xf32>
    %transpose3A_527 = tpu.transpose %concatenate3A_526, [1, 0] : vector<128x128xf32> -> vector<128x128xf32>
    %swap3A_528 = arith.constant 5120 : index
    %swap3A_529 = arith.constant 0 : index
    %swap3A_530 = vector.load %arg2[%swap3A_528, %swap3A_529] : memref<8192x128xf32, #tpu.memory_space<vmem>>, vector<128x128xf32>
    tpu.vector_store %arg2[%swap3A_528, %swap3A_529], %transpose3A_527 {strides = array<i32>} : memref<8192x128xf32, #tpu.memory_space<vmem>>, vector<128x128xf32>,
    %slice3A_531 = vector.extract_strided_slice %get3A_1 {offsets = [0, 41984], sizes = [16, 128], strides = [1, 1]} : vector<16x65536xf32> to vector<16x128xf32>
    %slice3A_532 = vector.extract_strided_slice %get3A_1 {offsets = [0, 42112], sizes = [16, 128], strides = [1, 1]} : vector<16x65536xf32> to vector<16x128xf32>
    %slice3A_533 = vector.extract_strided_slice %get3A_1 {offsets = [0, 42240], sizes = [16, 128], strides = [1, 1]} : vector<16x65536xf32> to vector<16x128xf32>
    %slice3A_534 = vector.extract_strided_slice %get3A_1 {offsets = [0, 42368], sizes = [16, 128], strides = [1, 1]} : vector<16x65536xf32> to vector<16x128xf32>
    %slice3A_535 = vector.extract_strided_slice %get3A_1 {offsets = [0, 42496], sizes = [16, 128], strides = [1, 1]} : vector<16x65536xf32> to vector<16x128xf32>
    %slice3A_536 = vector.extract_strided_slice %get3A_1 {offsets = [0, 42624], sizes = [16, 128], strides = [1, 1]} : vector<16x65536xf32> to vector<16x128xf32>
    %slice3A_537 = vector.extract_strided_slice %get3A_1 {offsets = [0, 42752], sizes = [16, 128], strides = [1, 1]} : vector<16x65536xf32> to vector<16x128xf32>
    %slice3A_538 = vector.extract_strided_slice %get3A_1 {offsets = [0, 42880], sizes = [16, 128], strides = [1, 1]} : vector<16x65536xf32> to vector<16x128xf32>
    %concatenate3A_539 = tpu.concatenate %slice3A_531, %slice3A_532, %slice3A_533, %slice3A_534, %slice3A_535, %slice3A_536, %slice3A_537, %slice3A_538 in 0 : vector<16x128xf32>, vector<16x128xf32>, vector<16x128xf32>, vector<16x128xf32>, vector<16x128xf32>, vector<16x128xf32>, vector<16x128xf32>, vector<16x128xf32> -> vector<128x128xf32>
    %transpose3A_540 = tpu.transpose %concatenate3A_539, [1, 0] : vector<128x128xf32> -> vector<128x128xf32>
    %swap3A_541 = arith.constant 5248 : index
    %swap3A_542 = arith.constant 0 : index
    %swap3A_543 = vector.load %arg2[%swap3A_541, %swap3A_542] : memref<8192x128xf32, #tpu.memory_space<vmem>>, vector<128x128xf32>
    tpu.vector_store %arg2[%swap3A_541, %swap3A_542], %transpose3A_540 {strides = array<i32>} : memref<8192x128xf32, #tpu.memory_space<vmem>>, vector<128x128xf32>,
    %slice3A_544 = vector.extract_strided_slice %get3A_1 {offsets = [0, 43008], sizes = [16, 128], strides = [1, 1]} : vector<16x65536xf32> to vector<16x128xf32>
    %slice3A_545 = vector.extract_strided_slice %get3A_1 {offsets = [0, 43136], sizes = [16, 128], strides = [1, 1]} : vector<16x65536xf32> to vector<16x128xf32>
    %slice3A_546 = vector.extract_strided_slice %get3A_1 {offsets = [0, 43264], sizes = [16, 128], strides = [1, 1]} : vector<16x65536xf32> to vector<16x128xf32>
    %slice3A_547 = vector.extract_strided_slice %get3A_1 {offsets = [0, 43392], sizes = [16, 128], strides = [1, 1]} : vector<16x65536xf32> to vector<16x128xf32>
    %slice3A_548 = vector.extract_strided_slice %get3A_1 {offsets = [0, 43520], sizes = [16, 128], strides = [1, 1]} : vector<16x65536xf32> to vector<16x128xf32>
    %slice3A_549 = vector.extract_strided_slice %get3A_1 {offsets = [0, 43648], sizes = [16, 128], strides = [1, 1]} : vector<16x65536xf32> to vector<16x128xf32>
    %slice3A_550 = vector.extract_strided_slice %get3A_1 {offsets = [0, 43776], sizes = [16, 128], strides = [1, 1]} : vector<16x65536xf32> to vector<16x128xf32>
    %slice3A_551 = vector.extract_strided_slice %get3A_1 {offsets = [0, 43904], sizes = [16, 128], strides = [1, 1]} : vector<16x65536xf32> to vector<16x128xf32>
    %concatenate3A_552 = tpu.concatenate %slice3A_544, %slice3A_545, %slice3A_546, %slice3A_547, %slice3A_548, %slice3A_549, %slice3A_550, %slice3A_551 in 0 : vector<16x128xf32>, vector<16x128xf32>, vector<16x128xf32>, vector<16x128xf32>, vector<16x128xf32>, vector<16x128xf32>, vector<16x128xf32>, vector<16x128xf32> -> vector<128x128xf32>
    %transpose3A_553 = tpu.transpose %concatenate3A_552, [1, 0] : vector<128x128xf32> -> vector<128x128xf32>
    %swap3A_554 = arith.constant 5376 : index
    %swap3A_555 = arith.constant 0 : index
    %swap3A_556 = vector.load %arg2[%swap3A_554, %swap3A_555] : memref<8192x128xf32, #tpu.memory_space<vmem>>, vector<128x128xf32>
    tpu.vector_store %arg2[%swap3A_554, %swap3A_555], %transpose3A_553 {strides = array<i32>} : memref<8192x128xf32, #tpu.memory_space<vmem>>, vector<128x128xf32>,
    %slice3A_557 = vector.extract_strided_slice %get3A_1 {offsets = [0, 44032], sizes = [16, 128], strides = [1, 1]} : vector<16x65536xf32> to vector<16x128xf32>
    %slice3A_558 = vector.extract_strided_slice %get3A_1 {offsets = [0, 44160], sizes = [16, 128], strides = [1, 1]} : vector<16x65536xf32> to vector<16x128xf32>
    %slice3A_559 = vector.extract_strided_slice %get3A_1 {offsets = [0, 44288], sizes = [16, 128], strides = [1, 1]} : vector<16x65536xf32> to vector<16x128xf32>
    %slice3A_560 = vector.extract_strided_slice %get3A_1 {offsets = [0, 44416], sizes = [16, 128], strides = [1, 1]} : vector<16x65536xf32> to vector<16x128xf32>
    %slice3A_561 = vector.extract_strided_slice %get3A_1 {offsets = [0, 44544], sizes = [16, 128], strides = [1, 1]} : vector<16x65536xf32> to vector<16x128xf32>
    %slice3A_562 = vector.extract_strided_slice %get3A_1 {offsets = [0, 44672], sizes = [16, 128], strides = [1, 1]} : vector<16x65536xf32> to vector<16x128xf32>
    %slice3A_563 = vector.extract_strided_slice %get3A_1 {offsets = [0, 44800], sizes = [16, 128], strides = [1, 1]} : vector<16x65536xf32> to vector<16x128xf32>
    %slice3A_564 = vector.extract_strided_slice %get3A_1 {offsets = [0, 44928], sizes = [16, 128], strides = [1, 1]} : vector<16x65536xf32> to vector<16x128xf32>
    %concatenate3A_565 = tpu.concatenate %slice3A_557, %slice3A_558, %slice3A_559, %slice3A_560, %slice3A_561, %slice3A_562, %slice3A_563, %slice3A_564 in 0 : vector<16x128xf32>, vector<16x128xf32>, vector<16x128xf32>, vector<16x128xf32>, vector<16x128xf32>, vector<16x128xf32>, vector<16x128xf32>, vector<16x128xf32> -> vector<128x128xf32>
    %transpose3A_566 = tpu.transpose %concatenate3A_565, [1, 0] : vector<128x128xf32> -> vector<128x128xf32>
    %swap3A_567 = arith.constant 5504 : index
    %swap3A_568 = arith.constant 0 : index
    %swap3A_569 = vector.load %arg2[%swap3A_567, %swap3A_568] : memref<8192x128xf32, #tpu.memory_space<vmem>>, vector<128x128xf32>
    tpu.vector_store %arg2[%swap3A_567, %swap3A_568], %transpose3A_566 {strides = array<i32>} : memref<8192x128xf32, #tpu.memory_space<vmem>>, vector<128x128xf32>,
    %slice3A_570 = vector.extract_strided_slice %get3A_1 {offsets = [0, 45056], sizes = [16, 128], strides = [1, 1]} : vector<16x65536xf32> to vector<16x128xf32>
    %slice3A_571 = vector.extract_strided_slice %get3A_1 {offsets = [0, 45184], sizes = [16, 128], strides = [1, 1]} : vector<16x65536xf32> to vector<16x128xf32>
    %slice3A_572 = vector.extract_strided_slice %get3A_1 {offsets = [0, 45312], sizes = [16, 128], strides = [1, 1]} : vector<16x65536xf32> to vector<16x128xf32>
    %slice3A_573 = vector.extract_strided_slice %get3A_1 {offsets = [0, 45440], sizes = [16, 128], strides = [1, 1]} : vector<16x65536xf32> to vector<16x128xf32>
    %slice3A_574 = vector.extract_strided_slice %get3A_1 {offsets = [0, 45568], sizes = [16, 128], strides = [1, 1]} : vector<16x65536xf32> to vector<16x128xf32>
    %slice3A_575 = vector.extract_strided_slice %get3A_1 {offsets = [0, 45696], sizes = [16, 128], strides = [1, 1]} : vector<16x65536xf32> to vector<16x128xf32>
    %slice3A_576 = vector.extract_strided_slice %get3A_1 {offsets = [0, 45824], sizes = [16, 128], strides = [1, 1]} : vector<16x65536xf32> to vector<16x128xf32>
    %slice3A_577 = vector.extract_strided_slice %get3A_1 {offsets = [0, 45952], sizes = [16, 128], strides = [1, 1]} : vector<16x65536xf32> to vector<16x128xf32>
    %concatenate3A_578 = tpu.concatenate %slice3A_570, %slice3A_571, %slice3A_572, %slice3A_573, %slice3A_574, %slice3A_575, %slice3A_576, %slice3A_577 in 0 : vector<16x128xf32>, vector<16x128xf32>, vector<16x128xf32>, vector<16x128xf32>, vector<16x128xf32>, vector<16x128xf32>, vector<16x128xf32>, vector<16x128xf32> -> vector<128x128xf32>
    %transpose3A_579 = tpu.transpose %concatenate3A_578, [1, 0] : vector<128x128xf32> -> vector<128x128xf32>
    %swap3A_580 = arith.constant 5632 : index
    %swap3A_581 = arith.constant 0 : index
    %swap3A_582 = vector.load %arg2[%swap3A_580, %swap3A_581] : memref<8192x128xf32, #tpu.memory_space<vmem>>, vector<128x128xf32>
    tpu.vector_store %arg2[%swap3A_580, %swap3A_581], %transpose3A_579 {strides = array<i32>} : memref<8192x128xf32, #tpu.memory_space<vmem>>, vector<128x128xf32>,
    %slice3A_583 = vector.extract_strided_slice %get3A_1 {offsets = [0, 46080], sizes = [16, 128], strides = [1, 1]} : vector<16x65536xf32> to vector<16x128xf32>
    %slice3A_584 = vector.extract_strided_slice %get3A_1 {offsets = [0, 46208], sizes = [16, 128], strides = [1, 1]} : vector<16x65536xf32> to vector<16x128xf32>
    %slice3A_585 = vector.extract_strided_slice %get3A_1 {offsets = [0, 46336], sizes = [16, 128], strides = [1, 1]} : vector<16x65536xf32> to vector<16x128xf32>
    %slice3A_586 = vector.extract_strided_slice %get3A_1 {offsets = [0, 46464], sizes = [16, 128], strides = [1, 1]} : vector<16x65536xf32> to vector<16x128xf32>
    %slice3A_587 = vector.extract_strided_slice %get3A_1 {offsets = [0, 46592], sizes = [16, 128], strides = [1, 1]} : vector<16x65536xf32> to vector<16x128xf32>
    %slice3A_588 = vector.extract_strided_slice %get3A_1 {offsets = [0, 46720], sizes = [16, 128], strides = [1, 1]} : vector<16x65536xf32> to vector<16x128xf32>
    %slice3A_589 = vector.extract_strided_slice %get3A_1 {offsets = [0, 46848], sizes = [16, 128], strides = [1, 1]} : vector<16x65536xf32> to vector<16x128xf32>
    %slice3A_590 = vector.extract_strided_slice %get3A_1 {offsets = [0, 46976], sizes = [16, 128], strides = [1, 1]} : vector<16x65536xf32> to vector<16x128xf32>
    %concatenate3A_591 = tpu.concatenate %slice3A_583, %slice3A_584, %slice3A_585, %slice3A_586, %slice3A_587, %slice3A_588, %slice3A_589, %slice3A_590 in 0 : vector<16x128xf32>, vector<16x128xf32>, vector<16x128xf32>, vector<16x128xf32>, vector<16x128xf32>, vector<16x128xf32>, vector<16x128xf32>, vector<16x128xf32> -> vector<128x128xf32>
    %transpose3A_592 = tpu.transpose %concatenate3A_591, [1, 0] : vector<128x128xf32> -> vector<128x128xf32>
    %swap3A_593 = arith.constant 5760 : index
    %swap3A_594 = arith.constant 0 : index
    %swap3A_595 = vector.load %arg2[%swap3A_593, %swap3A_594] : memref<8192x128xf32, #tpu.memory_space<vmem>>, vector<128x128xf32>
    tpu.vector_store %arg2[%swap3A_593, %swap3A_594], %transpose3A_592 {strides = array<i32>} : memref<8192x128xf32, #tpu.memory_space<vmem>>, vector<128x128xf32>,
    %slice3A_596 = vector.extract_strided_slice %get3A_1 {offsets = [0, 47104], sizes = [16, 128], strides = [1, 1]} : vector<16x65536xf32> to vector<16x128xf32>
    %slice3A_597 = vector.extract_strided_slice %get3A_1 {offsets = [0, 47232], sizes = [16, 128], strides = [1, 1]} : vector<16x65536xf32> to vector<16x128xf32>
    %slice3A_598 = vector.extract_strided_slice %get3A_1 {offsets = [0, 47360], sizes = [16, 128], strides = [1, 1]} : vector<16x65536xf32> to vector<16x128xf32>
    %slice3A_599 = vector.extract_strided_slice %get3A_1 {offsets = [0, 47488], sizes = [16, 128], strides = [1, 1]} : vector<16x65536xf32> to vector<16x128xf32>
    %slice3A_600 = vector.extract_strided_slice %get3A_1 {offsets = [0, 47616], sizes = [16, 128], strides = [1, 1]} : vector<16x65536xf32> to vector<16x128xf32>
    %slice3A_601 = vector.extract_strided_slice %get3A_1 {offsets = [0, 47744], sizes = [16, 128], strides = [1, 1]} : vector<16x65536xf32> to vector<16x128xf32>
    %slice3A_602 = vector.extract_strided_slice %get3A_1 {offsets = [0, 47872], sizes = [16, 128], strides = [1, 1]} : vector<16x65536xf32> to vector<16x128xf32>
    %slice3A_603 = vector.extract_strided_slice %get3A_1 {offsets = [0, 48000], sizes = [16, 128], strides = [1, 1]} : vector<16x65536xf32> to vector<16x128xf32>
    %concatenate3A_604 = tpu.concatenate %slice3A_596, %slice3A_597, %slice3A_598, %slice3A_599, %slice3A_600, %slice3A_601, %slice3A_602, %slice3A_603 in 0 : vector<16x128xf32>, vector<16x128xf32>, vector<16x128xf32>, vector<16x128xf32>, vector<16x128xf32>, vector<16x128xf32>, vector<16x128xf32>, vector<16x128xf32> -> vector<128x128xf32>
    %transpose3A_605 = tpu.transpose %concatenate3A_604, [1, 0] : vector<128x128xf32> -> vector<128x128xf32>
    %swap3A_606 = arith.constant 5888 : index
    %swap3A_607 = arith.constant 0 : index
    %swap3A_608 = vector.load %arg2[%swap3A_606, %swap3A_607] : memref<8192x128xf32, #tpu.memory_space<vmem>>, vector<128x128xf32>
    tpu.vector_store %arg2[%swap3A_606, %swap3A_607], %transpose3A_605 {strides = array<i32>} : memref<8192x128xf32, #tpu.memory_space<vmem>>, vector<128x128xf32>,
    %slice3A_609 = vector.extract_strided_slice %get3A_1 {offsets = [0, 48128], sizes = [16, 128], strides = [1, 1]} : vector<16x65536xf32> to vector<16x128xf32>
    %slice3A_610 = vector.extract_strided_slice %get3A_1 {offsets = [0, 48256], sizes = [16, 128], strides = [1, 1]} : vector<16x65536xf32> to vector<16x128xf32>
    %slice3A_611 = vector.extract_strided_slice %get3A_1 {offsets = [0, 48384], sizes = [16, 128], strides = [1, 1]} : vector<16x65536xf32> to vector<16x128xf32>
    %slice3A_612 = vector.extract_strided_slice %get3A_1 {offsets = [0, 48512], sizes = [16, 128], strides = [1, 1]} : vector<16x65536xf32> to vector<16x128xf32>
    %slice3A_613 = vector.extract_strided_slice %get3A_1 {offsets = [0, 48640], sizes = [16, 128], strides = [1, 1]} : vector<16x65536xf32> to vector<16x128xf32>
    %slice3A_614 = vector.extract_strided_slice %get3A_1 {offsets = [0, 48768], sizes = [16, 128], strides = [1, 1]} : vector<16x65536xf32> to vector<16x128xf32>
    %slice3A_615 = vector.extract_strided_slice %get3A_1 {offsets = [0, 48896], sizes = [16, 128], strides = [1, 1]} : vector<16x65536xf32> to vector<16x128xf32>
    %slice3A_616 = vector.extract_strided_slice %get3A_1 {offsets = [0, 49024], sizes = [16, 128], strides = [1, 1]} : vector<16x65536xf32> to vector<16x128xf32>
    %concatenate3A_617 = tpu.concatenate %slice3A_609, %slice3A_610, %slice3A_611, %slice3A_612, %slice3A_613, %slice3A_614, %slice3A_615, %slice3A_616 in 0 : vector<16x128xf32>, vector<16x128xf32>, vector<16x128xf32>, vector<16x128xf32>, vector<16x128xf32>, vector<16x128xf32>, vector<16x128xf32>, vector<16x128xf32> -> vector<128x128xf32>
    %transpose3A_618 = tpu.transpose %concatenate3A_617, [1, 0] : vector<128x128xf32> -> vector<128x128xf32>
    %swap3A_619 = arith.constant 6016 : index
    %swap3A_620 = arith.constant 0 : index
    %swap3A_621 = vector.load %arg2[%swap3A_619, %swap3A_620] : memref<8192x128xf32, #tpu.memory_space<vmem>>, vector<128x128xf32>
    tpu.vector_store %arg2[%swap3A_619, %swap3A_620], %transpose3A_618 {strides = array<i32>} : memref<8192x128xf32, #tpu.memory_space<vmem>>, vector<128x128xf32>,
    %slice3A_622 = vector.extract_strided_slice %get3A_1 {offsets = [0, 49152], sizes = [16, 128], strides = [1, 1]} : vector<16x65536xf32> to vector<16x128xf32>
    %slice3A_623 = vector.extract_strided_slice %get3A_1 {offsets = [0, 49280], sizes = [16, 128], strides = [1, 1]} : vector<16x65536xf32> to vector<16x128xf32>
    %slice3A_624 = vector.extract_strided_slice %get3A_1 {offsets = [0, 49408], sizes = [16, 128], strides = [1, 1]} : vector<16x65536xf32> to vector<16x128xf32>
    %slice3A_625 = vector.extract_strided_slice %get3A_1 {offsets = [0, 49536], sizes = [16, 128], strides = [1, 1]} : vector<16x65536xf32> to vector<16x128xf32>
    %slice3A_626 = vector.extract_strided_slice %get3A_1 {offsets = [0, 49664], sizes = [16, 128], strides = [1, 1]} : vector<16x65536xf32> to vector<16x128xf32>
    %slice3A_627 = vector.extract_strided_slice %get3A_1 {offsets = [0, 49792], sizes = [16, 128], strides = [1, 1]} : vector<16x65536xf32> to vector<16x128xf32>
    %slice3A_628 = vector.extract_strided_slice %get3A_1 {offsets = [0, 49920], sizes = [16, 128], strides = [1, 1]} : vector<16x65536xf32> to vector<16x128xf32>
    %slice3A_629 = vector.extract_strided_slice %get3A_1 {offsets = [0, 50048], sizes = [16, 128], strides = [1, 1]} : vector<16x65536xf32> to vector<16x128xf32>
    %concatenate3A_630 = tpu.concatenate %slice3A_622, %slice3A_623, %slice3A_624, %slice3A_625, %slice3A_626, %slice3A_627, %slice3A_628, %slice3A_629 in 0 : vector<16x128xf32>, vector<16x128xf32>, vector<16x128xf32>, vector<16x128xf32>, vector<16x128xf32>, vector<16x128xf32>, vector<16x128xf32>, vector<16x128xf32> -> vector<128x128xf32>
    %transpose3A_631 = tpu.transpose %concatenate3A_630, [1, 0] : vector<128x128xf32> -> vector<128x128xf32>
    %swap3A_632 = arith.constant 6144 : index
    %swap3A_633 = arith.constant 0 : index
    %swap3A_634 = vector.load %arg2[%swap3A_632, %swap3A_633] : memref<8192x128xf32, #tpu.memory_space<vmem>>, vector<128x128xf32>
    tpu.vector_store %arg2[%swap3A_632, %swap3A_633], %transpose3A_631 {strides = array<i32>} : memref<8192x128xf32, #tpu.memory_space<vmem>>, vector<128x128xf32>,
    %slice3A_635 = vector.extract_strided_slice %get3A_1 {offsets = [0, 50176], sizes = [16, 128], strides = [1, 1]} : vector<16x65536xf32> to vector<16x128xf32>
    %slice3A_636 = vector.extract_strided_slice %get3A_1 {offsets = [0, 50304], sizes = [16, 128], strides = [1, 1]} : vector<16x65536xf32> to vector<16x128xf32>
    %slice3A_637 = vector.extract_strided_slice %get3A_1 {offsets = [0, 50432], sizes = [16, 128], strides = [1, 1]} : vector<16x65536xf32> to vector<16x128xf32>
    %slice3A_638 = vector.extract_strided_slice %get3A_1 {offsets = [0, 50560], sizes = [16, 128], strides = [1, 1]} : vector<16x65536xf32> to vector<16x128xf32>
    %slice3A_639 = vector.extract_strided_slice %get3A_1 {offsets = [0, 50688], sizes = [16, 128], strides = [1, 1]} : vector<16x65536xf32> to vector<16x128xf32>
    %slice3A_640 = vector.extract_strided_slice %get3A_1 {offsets = [0, 50816], sizes = [16, 128], strides = [1, 1]} : vector<16x65536xf32> to vector<16x128xf32>
    %slice3A_641 = vector.extract_strided_slice %get3A_1 {offsets = [0, 50944], sizes = [16, 128], strides = [1, 1]} : vector<16x65536xf32> to vector<16x128xf32>
    %slice3A_642 = vector.extract_strided_slice %get3A_1 {offsets = [0, 51072], sizes = [16, 128], strides = [1, 1]} : vector<16x65536xf32> to vector<16x128xf32>
    %concatenate3A_643 = tpu.concatenate %slice3A_635, %slice3A_636, %slice3A_637, %slice3A_638, %slice3A_639, %slice3A_640, %slice3A_641, %slice3A_642 in 0 : vector<16x128xf32>, vector<16x128xf32>, vector<16x128xf32>, vector<16x128xf32>, vector<16x128xf32>, vector<16x128xf32>, vector<16x128xf32>, vector<16x128xf32> -> vector<128x128xf32>
    %transpose3A_644 = tpu.transpose %concatenate3A_643, [1, 0] : vector<128x128xf32> -> vector<128x128xf32>
    %swap3A_645 = arith.constant 6272 : index
    %swap3A_646 = arith.constant 0 : index
    %swap3A_647 = vector.load %arg2[%swap3A_645, %swap3A_646] : memref<8192x128xf32, #tpu.memory_space<vmem>>, vector<128x128xf32>
    tpu.vector_store %arg2[%swap3A_645, %swap3A_646], %transpose3A_644 {strides = array<i32>} : memref<8192x128xf32, #tpu.memory_space<vmem>>, vector<128x128xf32>,
    %slice3A_648 = vector.extract_strided_slice %get3A_1 {offsets = [0, 51200], sizes = [16, 128], strides = [1, 1]} : vector<16x65536xf32> to vector<16x128xf32>
    %slice3A_649 = vector.extract_strided_slice %get3A_1 {offsets = [0, 51328], sizes = [16, 128], strides = [1, 1]} : vector<16x65536xf32> to vector<16x128xf32>
    %slice3A_650 = vector.extract_strided_slice %get3A_1 {offsets = [0, 51456], sizes = [16, 128], strides = [1, 1]} : vector<16x65536xf32> to vector<16x128xf32>
    %slice3A_651 = vector.extract_strided_slice %get3A_1 {offsets = [0, 51584], sizes = [16, 128], strides = [1, 1]} : vector<16x65536xf32> to vector<16x128xf32>
    %slice3A_652 = vector.extract_strided_slice %get3A_1 {offsets = [0, 51712], sizes = [16, 128], strides = [1, 1]} : vector<16x65536xf32> to vector<16x128xf32>
    %slice3A_653 = vector.extract_strided_slice %get3A_1 {offsets = [0, 51840], sizes = [16, 128], strides = [1, 1]} : vector<16x65536xf32> to vector<16x128xf32>
    %slice3A_654 = vector.extract_strided_slice %get3A_1 {offsets = [0, 51968], sizes = [16, 128], strides = [1, 1]} : vector<16x65536xf32> to vector<16x128xf32>
    %slice3A_655 = vector.extract_strided_slice %get3A_1 {offsets = [0, 52096], sizes = [16, 128], strides = [1, 1]} : vector<16x65536xf32> to vector<16x128xf32>
    %concatenate3A_656 = tpu.concatenate %slice3A_648, %slice3A_649, %slice3A_650, %slice3A_651, %slice3A_652, %slice3A_653, %slice3A_654, %slice3A_655 in 0 : vector<16x128xf32>, vector<16x128xf32>, vector<16x128xf32>, vector<16x128xf32>, vector<16x128xf32>, vector<16x128xf32>, vector<16x128xf32>, vector<16x128xf32> -> vector<128x128xf32>
    %transpose3A_657 = tpu.transpose %concatenate3A_656, [1, 0] : vector<128x128xf32> -> vector<128x128xf32>
    %swap3A_658 = arith.constant 6400 : index
    %swap3A_659 = arith.constant 0 : index
    %swap3A_660 = vector.load %arg2[%swap3A_658, %swap3A_659] : memref<8192x128xf32, #tpu.memory_space<vmem>>, vector<128x128xf32>
    tpu.vector_store %arg2[%swap3A_658, %swap3A_659], %transpose3A_657 {strides = array<i32>} : memref<8192x128xf32, #tpu.memory_space<vmem>>, vector<128x128xf32>,
    %slice3A_661 = vector.extract_strided_slice %get3A_1 {offsets = [0, 52224], sizes = [16, 128], strides = [1, 1]} : vector<16x65536xf32> to vector<16x128xf32>
    %slice3A_662 = vector.extract_strided_slice %get3A_1 {offsets = [0, 52352], sizes = [16, 128], strides = [1, 1]} : vector<16x65536xf32> to vector<16x128xf32>
    %slice3A_663 = vector.extract_strided_slice %get3A_1 {offsets = [0, 52480], sizes = [16, 128], strides = [1, 1]} : vector<16x65536xf32> to vector<16x128xf32>
    %slice3A_664 = vector.extract_strided_slice %get3A_1 {offsets = [0, 52608], sizes = [16, 128], strides = [1, 1]} : vector<16x65536xf32> to vector<16x128xf32>
    %slice3A_665 = vector.extract_strided_slice %get3A_1 {offsets = [0, 52736], sizes = [16, 128], strides = [1, 1]} : vector<16x65536xf32> to vector<16x128xf32>
    %slice3A_666 = vector.extract_strided_slice %get3A_1 {offsets = [0, 52864], sizes = [16, 128], strides = [1, 1]} : vector<16x65536xf32> to vector<16x128xf32>
    %slice3A_667 = vector.extract_strided_slice %get3A_1 {offsets = [0, 52992], sizes = [16, 128], strides = [1, 1]} : vector<16x65536xf32> to vector<16x128xf32>
    %slice3A_668 = vector.extract_strided_slice %get3A_1 {offsets = [0, 53120], sizes = [16, 128], strides = [1, 1]} : vector<16x65536xf32> to vector<16x128xf32>
    %concatenate3A_669 = tpu.concatenate %slice3A_661, %slice3A_662, %slice3A_663, %slice3A_664, %slice3A_665, %slice3A_666, %slice3A_667, %slice3A_668 in 0 : vector<16x128xf32>, vector<16x128xf32>, vector<16x128xf32>, vector<16x128xf32>, vector<16x128xf32>, vector<16x128xf32>, vector<16x128xf32>, vector<16x128xf32> -> vector<128x128xf32>
    %transpose3A_670 = tpu.transpose %concatenate3A_669, [1, 0] : vector<128x128xf32> -> vector<128x128xf32>
    %swap3A_671 = arith.constant 6528 : index
    %swap3A_672 = arith.constant 0 : index
    %swap3A_673 = vector.load %arg2[%swap3A_671, %swap3A_672] : memref<8192x128xf32, #tpu.memory_space<vmem>>, vector<128x128xf32>
    tpu.vector_store %arg2[%swap3A_671, %swap3A_672], %transpose3A_670 {strides = array<i32>} : memref<8192x128xf32, #tpu.memory_space<vmem>>, vector<128x128xf32>,
    %slice3A_674 = vector.extract_strided_slice %get3A_1 {offsets = [0, 53248], sizes = [16, 128], strides = [1, 1]} : vector<16x65536xf32> to vector<16x128xf32>
    %slice3A_675 = vector.extract_strided_slice %get3A_1 {offsets = [0, 53376], sizes = [16, 128], strides = [1, 1]} : vector<16x65536xf32> to vector<16x128xf32>
    %slice3A_676 = vector.extract_strided_slice %get3A_1 {offsets = [0, 53504], sizes = [16, 128], strides = [1, 1]} : vector<16x65536xf32> to vector<16x128xf32>
    %slice3A_677 = vector.extract_strided_slice %get3A_1 {offsets = [0, 53632], sizes = [16, 128], strides = [1, 1]} : vector<16x65536xf32> to vector<16x128xf32>
    %slice3A_678 = vector.extract_strided_slice %get3A_1 {offsets = [0, 53760], sizes = [16, 128], strides = [1, 1]} : vector<16x65536xf32> to vector<16x128xf32>
    %slice3A_679 = vector.extract_strided_slice %get3A_1 {offsets = [0, 53888], sizes = [16, 128], strides = [1, 1]} : vector<16x65536xf32> to vector<16x128xf32>
    %slice3A_680 = vector.extract_strided_slice %get3A_1 {offsets = [0, 54016], sizes = [16, 128], strides = [1, 1]} : vector<16x65536xf32> to vector<16x128xf32>
    %slice3A_681 = vector.extract_strided_slice %get3A_1 {offsets = [0, 54144], sizes = [16, 128], strides = [1, 1]} : vector<16x65536xf32> to vector<16x128xf32>
    %concatenate3A_682 = tpu.concatenate %slice3A_674, %slice3A_675, %slice3A_676, %slice3A_677, %slice3A_678, %slice3A_679, %slice3A_680, %slice3A_681 in 0 : vector<16x128xf32>, vector<16x128xf32>, vector<16x128xf32>, vector<16x128xf32>, vector<16x128xf32>, vector<16x128xf32>, vector<16x128xf32>, vector<16x128xf32> -> vector<128x128xf32>
    %transpose3A_683 = tpu.transpose %concatenate3A_682, [1, 0] : vector<128x128xf32> -> vector<128x128xf32>
    %swap3A_684 = arith.constant 6656 : index
    %swap3A_685 = arith.constant 0 : index
    %swap3A_686 = vector.load %arg2[%swap3A_684, %swap3A_685] : memref<8192x128xf32, #tpu.memory_space<vmem>>, vector<128x128xf32>
    tpu.vector_store %arg2[%swap3A_684, %swap3A_685], %transpose3A_683 {strides = array<i32>} : memref<8192x128xf32, #tpu.memory_space<vmem>>, vector<128x128xf32>,
    %slice3A_687 = vector.extract_strided_slice %get3A_1 {offsets = [0, 54272], sizes = [16, 128], strides = [1, 1]} : vector<16x65536xf32> to vector<16x128xf32>
    %slice3A_688 = vector.extract_strided_slice %get3A_1 {offsets = [0, 54400], sizes = [16, 128], strides = [1, 1]} : vector<16x65536xf32> to vector<16x128xf32>
    %slice3A_689 = vector.extract_strided_slice %get3A_1 {offsets = [0, 54528], sizes = [16, 128], strides = [1, 1]} : vector<16x65536xf32> to vector<16x128xf32>
    %slice3A_690 = vector.extract_strided_slice %get3A_1 {offsets = [0, 54656], sizes = [16, 128], strides = [1, 1]} : vector<16x65536xf32> to vector<16x128xf32>
    %slice3A_691 = vector.extract_strided_slice %get3A_1 {offsets = [0, 54784], sizes = [16, 128], strides = [1, 1]} : vector<16x65536xf32> to vector<16x128xf32>
    %slice3A_692 = vector.extract_strided_slice %get3A_1 {offsets = [0, 54912], sizes = [16, 128], strides = [1, 1]} : vector<16x65536xf32> to vector<16x128xf32>
    %slice3A_693 = vector.extract_strided_slice %get3A_1 {offsets = [0, 55040], sizes = [16, 128], strides = [1, 1]} : vector<16x65536xf32> to vector<16x128xf32>
    %slice3A_694 = vector.extract_strided_slice %get3A_1 {offsets = [0, 55168], sizes = [16, 128], strides = [1, 1]} : vector<16x65536xf32> to vector<16x128xf32>
    %concatenate3A_695 = tpu.concatenate %slice3A_687, %slice3A_688, %slice3A_689, %slice3A_690, %slice3A_691, %slice3A_692, %slice3A_693, %slice3A_694 in 0 : vector<16x128xf32>, vector<16x128xf32>, vector<16x128xf32>, vector<16x128xf32>, vector<16x128xf32>, vector<16x128xf32>, vector<16x128xf32>, vector<16x128xf32> -> vector<128x128xf32>
    %transpose3A_696 = tpu.transpose %concatenate3A_695, [1, 0] : vector<128x128xf32> -> vector<128x128xf32>
    %swap3A_697 = arith.constant 6784 : index
    %swap3A_698 = arith.constant 0 : index
    %swap3A_699 = vector.load %arg2[%swap3A_697, %swap3A_698] : memref<8192x128xf32, #tpu.memory_space<vmem>>, vector<128x128xf32>
    tpu.vector_store %arg2[%swap3A_697, %swap3A_698], %transpose3A_696 {strides = array<i32>} : memref<8192x128xf32, #tpu.memory_space<vmem>>, vector<128x128xf32>,
    %slice3A_700 = vector.extract_strided_slice %get3A_1 {offsets = [0, 55296], sizes = [16, 128], strides = [1, 1]} : vector<16x65536xf32> to vector<16x128xf32>
    %slice3A_701 = vector.extract_strided_slice %get3A_1 {offsets = [0, 55424], sizes = [16, 128], strides = [1, 1]} : vector<16x65536xf32> to vector<16x128xf32>
    %slice3A_702 = vector.extract_strided_slice %get3A_1 {offsets = [0, 55552], sizes = [16, 128], strides = [1, 1]} : vector<16x65536xf32> to vector<16x128xf32>
    %slice3A_703 = vector.extract_strided_slice %get3A_1 {offsets = [0, 55680], sizes = [16, 128], strides = [1, 1]} : vector<16x65536xf32> to vector<16x128xf32>
    %slice3A_704 = vector.extract_strided_slice %get3A_1 {offsets = [0, 55808], sizes = [16, 128], strides = [1, 1]} : vector<16x65536xf32> to vector<16x128xf32>
    %slice3A_705 = vector.extract_strided_slice %get3A_1 {offsets = [0, 55936], sizes = [16, 128], strides = [1, 1]} : vector<16x65536xf32> to vector<16x128xf32>
    %slice3A_706 = vector.extract_strided_slice %get3A_1 {offsets = [0, 56064], sizes = [16, 128], strides = [1, 1]} : vector<16x65536xf32> to vector<16x128xf32>
    %slice3A_707 = vector.extract_strided_slice %get3A_1 {offsets = [0, 56192], sizes = [16, 128], strides = [1, 1]} : vector<16x65536xf32> to vector<16x128xf32>
    %concatenate3A_708 = tpu.concatenate %slice3A_700, %slice3A_701, %slice3A_702, %slice3A_703, %slice3A_704, %slice3A_705, %slice3A_706, %slice3A_707 in 0 : vector<16x128xf32>, vector<16x128xf32>, vector<16x128xf32>, vector<16x128xf32>, vector<16x128xf32>, vector<16x128xf32>, vector<16x128xf32>, vector<16x128xf32> -> vector<128x128xf32>
    %transpose3A_709 = tpu.transpose %concatenate3A_708, [1, 0] : vector<128x128xf32> -> vector<128x128xf32>
    %swap3A_710 = arith.constant 6912 : index
    %swap3A_711 = arith.constant 0 : index
    %swap3A_712 = vector.load %arg2[%swap3A_710, %swap3A_711] : memref<8192x128xf32, #tpu.memory_space<vmem>>, vector<128x128xf32>
    tpu.vector_store %arg2[%swap3A_710, %swap3A_711], %transpose3A_709 {strides = array<i32>} : memref<8192x128xf32, #tpu.memory_space<vmem>>, vector<128x128xf32>,
    %slice3A_713 = vector.extract_strided_slice %get3A_1 {offsets = [0, 56320], sizes = [16, 128], strides = [1, 1]} : vector<16x65536xf32> to vector<16x128xf32>
    %slice3A_714 = vector.extract_strided_slice %get3A_1 {offsets = [0, 56448], sizes = [16, 128], strides = [1, 1]} : vector<16x65536xf32> to vector<16x128xf32>
    %slice3A_715 = vector.extract_strided_slice %get3A_1 {offsets = [0, 56576], sizes = [16, 128], strides = [1, 1]} : vector<16x65536xf32> to vector<16x128xf32>
    %slice3A_716 = vector.extract_strided_slice %get3A_1 {offsets = [0, 56704], sizes = [16, 128], strides = [1, 1]} : vector<16x65536xf32> to vector<16x128xf32>
    %slice3A_717 = vector.extract_strided_slice %get3A_1 {offsets = [0, 56832], sizes = [16, 128], strides = [1, 1]} : vector<16x65536xf32> to vector<16x128xf32>
    %slice3A_718 = vector.extract_strided_slice %get3A_1 {offsets = [0, 56960], sizes = [16, 128], strides = [1, 1]} : vector<16x65536xf32> to vector<16x128xf32>
    %slice3A_719 = vector.extract_strided_slice %get3A_1 {offsets = [0, 57088], sizes = [16, 128], strides = [1, 1]} : vector<16x65536xf32> to vector<16x128xf32>
    %slice3A_720 = vector.extract_strided_slice %get3A_1 {offsets = [0, 57216], sizes = [16, 128], strides = [1, 1]} : vector<16x65536xf32> to vector<16x128xf32>
    %concatenate3A_721 = tpu.concatenate %slice3A_713, %slice3A_714, %slice3A_715, %slice3A_716, %slice3A_717, %slice3A_718, %slice3A_719, %slice3A_720 in 0 : vector<16x128xf32>, vector<16x128xf32>, vector<16x128xf32>, vector<16x128xf32>, vector<16x128xf32>, vector<16x128xf32>, vector<16x128xf32>, vector<16x128xf32> -> vector<128x128xf32>
    %transpose3A_722 = tpu.transpose %concatenate3A_721, [1, 0] : vector<128x128xf32> -> vector<128x128xf32>
    %swap3A_723 = arith.constant 7040 : index
    %swap3A_724 = arith.constant 0 : index
    %swap3A_725 = vector.load %arg2[%swap3A_723, %swap3A_724] : memref<8192x128xf32, #tpu.memory_space<vmem>>, vector<128x128xf32>
    tpu.vector_store %arg2[%swap3A_723, %swap3A_724], %transpose3A_722 {strides = array<i32>} : memref<8192x128xf32, #tpu.memory_space<vmem>>, vector<128x128xf32>,
    %slice3A_726 = vector.extract_strided_slice %get3A_1 {offsets = [0, 57344], sizes = [16, 128], strides = [1, 1]} : vector<16x65536xf32> to vector<16x128xf32>
    %slice3A_727 = vector.extract_strided_slice %get3A_1 {offsets = [0, 57472], sizes = [16, 128], strides = [1, 1]} : vector<16x65536xf32> to vector<16x128xf32>
    %slice3A_728 = vector.extract_strided_slice %get3A_1 {offsets = [0, 57600], sizes = [16, 128], strides = [1, 1]} : vector<16x65536xf32> to vector<16x128xf32>
    %slice3A_729 = vector.extract_strided_slice %get3A_1 {offsets = [0, 57728], sizes = [16, 128], strides = [1, 1]} : vector<16x65536xf32> to vector<16x128xf32>
    %slice3A_730 = vector.extract_strided_slice %get3A_1 {offsets = [0, 57856], sizes = [16, 128], strides = [1, 1]} : vector<16x65536xf32> to vector<16x128xf32>
    %slice3A_731 = vector.extract_strided_slice %get3A_1 {offsets = [0, 57984], sizes = [16, 128], strides = [1, 1]} : vector<16x65536xf32> to vector<16x128xf32>
    %slice3A_732 = vector.extract_strided_slice %get3A_1 {offsets = [0, 58112], sizes = [16, 128], strides = [1, 1]} : vector<16x65536xf32> to vector<16x128xf32>
    %slice3A_733 = vector.extract_strided_slice %get3A_1 {offsets = [0, 58240], sizes = [16, 128], strides = [1, 1]} : vector<16x65536xf32> to vector<16x128xf32>
    %concatenate3A_734 = tpu.concatenate %slice3A_726, %slice3A_727, %slice3A_728, %slice3A_729, %slice3A_730, %slice3A_731, %slice3A_732, %slice3A_733 in 0 : vector<16x128xf32>, vector<16x128xf32>, vector<16x128xf32>, vector<16x128xf32>, vector<16x128xf32>, vector<16x128xf32>, vector<16x128xf32>, vector<16x128xf32> -> vector<128x128xf32>
    %transpose3A_735 = tpu.transpose %concatenate3A_734, [1, 0] : vector<128x128xf32> -> vector<128x128xf32>
    %swap3A_736 = arith.constant 7168 : index
    %swap3A_737 = arith.constant 0 : index
    %swap3A_738 = vector.load %arg2[%swap3A_736, %swap3A_737] : memref<8192x128xf32, #tpu.memory_space<vmem>>, vector<128x128xf32>
    tpu.vector_store %arg2[%swap3A_736, %swap3A_737], %transpose3A_735 {strides = array<i32>} : memref<8192x128xf32, #tpu.memory_space<vmem>>, vector<128x128xf32>,
    %slice3A_739 = vector.extract_strided_slice %get3A_1 {offsets = [0, 58368], sizes = [16, 128], strides = [1, 1]} : vector<16x65536xf32> to vector<16x128xf32>
    %slice3A_740 = vector.extract_strided_slice %get3A_1 {offsets = [0, 58496], sizes = [16, 128], strides = [1, 1]} : vector<16x65536xf32> to vector<16x128xf32>
    %slice3A_741 = vector.extract_strided_slice %get3A_1 {offsets = [0, 58624], sizes = [16, 128], strides = [1, 1]} : vector<16x65536xf32> to vector<16x128xf32>
    %slice3A_742 = vector.extract_strided_slice %get3A_1 {offsets = [0, 58752], sizes = [16, 128], strides = [1, 1]} : vector<16x65536xf32> to vector<16x128xf32>
    %slice3A_743 = vector.extract_strided_slice %get3A_1 {offsets = [0, 58880], sizes = [16, 128], strides = [1, 1]} : vector<16x65536xf32> to vector<16x128xf32>
    %slice3A_744 = vector.extract_strided_slice %get3A_1 {offsets = [0, 59008], sizes = [16, 128], strides = [1, 1]} : vector<16x65536xf32> to vector<16x128xf32>
    %slice3A_745 = vector.extract_strided_slice %get3A_1 {offsets = [0, 59136], sizes = [16, 128], strides = [1, 1]} : vector<16x65536xf32> to vector<16x128xf32>
    %slice3A_746 = vector.extract_strided_slice %get3A_1 {offsets = [0, 59264], sizes = [16, 128], strides = [1, 1]} : vector<16x65536xf32> to vector<16x128xf32>
    %concatenate3A_747 = tpu.concatenate %slice3A_739, %slice3A_740, %slice3A_741, %slice3A_742, %slice3A_743, %slice3A_744, %slice3A_745, %slice3A_746 in 0 : vector<16x128xf32>, vector<16x128xf32>, vector<16x128xf32>, vector<16x128xf32>, vector<16x128xf32>, vector<16x128xf32>, vector<16x128xf32>, vector<16x128xf32> -> vector<128x128xf32>
    %transpose3A_748 = tpu.transpose %concatenate3A_747, [1, 0] : vector<128x128xf32> -> vector<128x128xf32>
    %swap3A_749 = arith.constant 7296 : index
    %swap3A_750 = arith.constant 0 : index
    %swap3A_751 = vector.load %arg2[%swap3A_749, %swap3A_750] : memref<8192x128xf32, #tpu.memory_space<vmem>>, vector<128x128xf32>
    tpu.vector_store %arg2[%swap3A_749, %swap3A_750], %transpose3A_748 {strides = array<i32>} : memref<8192x128xf32, #tpu.memory_space<vmem>>, vector<128x128xf32>,
    %slice3A_752 = vector.extract_strided_slice %get3A_1 {offsets = [0, 59392], sizes = [16, 128], strides = [1, 1]} : vector<16x65536xf32> to vector<16x128xf32>
    %slice3A_753 = vector.extract_strided_slice %get3A_1 {offsets = [0, 59520], sizes = [16, 128], strides = [1, 1]} : vector<16x65536xf32> to vector<16x128xf32>
    %slice3A_754 = vector.extract_strided_slice %get3A_1 {offsets = [0, 59648], sizes = [16, 128], strides = [1, 1]} : vector<16x65536xf32> to vector<16x128xf32>
    %slice3A_755 = vector.extract_strided_slice %get3A_1 {offsets = [0, 59776], sizes = [16, 128], strides = [1, 1]} : vector<16x65536xf32> to vector<16x128xf32>
    %slice3A_756 = vector.extract_strided_slice %get3A_1 {offsets = [0, 59904], sizes = [16, 128], strides = [1, 1]} : vector<16x65536xf32> to vector<16x128xf32>
    %slice3A_757 = vector.extract_strided_slice %get3A_1 {offsets = [0, 60032], sizes = [16, 128], strides = [1, 1]} : vector<16x65536xf32> to vector<16x128xf32>
    %slice3A_758 = vector.extract_strided_slice %get3A_1 {offsets = [0, 60160], sizes = [16, 128], strides = [1, 1]} : vector<16x65536xf32> to vector<16x128xf32>
    %slice3A_759 = vector.extract_strided_slice %get3A_1 {offsets = [0, 60288], sizes = [16, 128], strides = [1, 1]} : vector<16x65536xf32> to vector<16x128xf32>
    %concatenate3A_760 = tpu.concatenate %slice3A_752, %slice3A_753, %slice3A_754, %slice3A_755, %slice3A_756, %slice3A_757, %slice3A_758, %slice3A_759 in 0 : vector<16x128xf32>, vector<16x128xf32>, vector<16x128xf32>, vector<16x128xf32>, vector<16x128xf32>, vector<16x128xf32>, vector<16x128xf32>, vector<16x128xf32> -> vector<128x128xf32>
    %transpose3A_761 = tpu.transpose %concatenate3A_760, [1, 0] : vector<128x128xf32> -> vector<128x128xf32>
    %swap3A_762 = arith.constant 7424 : index
    %swap3A_763 = arith.constant 0 : index
    %swap3A_764 = vector.load %arg2[%swap3A_762, %swap3A_763] : memref<8192x128xf32, #tpu.memory_space<vmem>>, vector<128x128xf32>
    tpu.vector_store %arg2[%swap3A_762, %swap3A_763], %transpose3A_761 {strides = array<i32>} : memref<8192x128xf32, #tpu.memory_space<vmem>>, vector<128x128xf32>,
    %slice3A_765 = vector.extract_strided_slice %get3A_1 {offsets = [0, 60416], sizes = [16, 128], strides = [1, 1]} : vector<16x65536xf32> to vector<16x128xf32>
    %slice3A_766 = vector.extract_strided_slice %get3A_1 {offsets = [0, 60544], sizes = [16, 128], strides = [1, 1]} : vector<16x65536xf32> to vector<16x128xf32>
    %slice3A_767 = vector.extract_strided_slice %get3A_1 {offsets = [0, 60672], sizes = [16, 128], strides = [1, 1]} : vector<16x65536xf32> to vector<16x128xf32>
    %slice3A_768 = vector.extract_strided_slice %get3A_1 {offsets = [0, 60800], sizes = [16, 128], strides = [1, 1]} : vector<16x65536xf32> to vector<16x128xf32>
    %slice3A_769 = vector.extract_strided_slice %get3A_1 {offsets = [0, 60928], sizes = [16, 128], strides = [1, 1]} : vector<16x65536xf32> to vector<16x128xf32>
    %slice3A_770 = vector.extract_strided_slice %get3A_1 {offsets = [0, 61056], sizes = [16, 128], strides = [1, 1]} : vector<16x65536xf32> to vector<16x128xf32>
    %slice3A_771 = vector.extract_strided_slice %get3A_1 {offsets = [0, 61184], sizes = [16, 128], strides = [1, 1]} : vector<16x65536xf32> to vector<16x128xf32>
    %slice3A_772 = vector.extract_strided_slice %get3A_1 {offsets = [0, 61312], sizes = [16, 128], strides = [1, 1]} : vector<16x65536xf32> to vector<16x128xf32>
    %concatenate3A_773 = tpu.concatenate %slice3A_765, %slice3A_766, %slice3A_767, %slice3A_768, %slice3A_769, %slice3A_770, %slice3A_771, %slice3A_772 in 0 : vector<16x128xf32>, vector<16x128xf32>, vector<16x128xf32>, vector<16x128xf32>, vector<16x128xf32>, vector<16x128xf32>, vector<16x128xf32>, vector<16x128xf32> -> vector<128x128xf32>
    %transpose3A_774 = tpu.transpose %concatenate3A_773, [1, 0] : vector<128x128xf32> -> vector<128x128xf32>
    %swap3A_775 = arith.constant 7552 : index
    %swap3A_776 = arith.constant 0 : index
    %swap3A_777 = vector.load %arg2[%swap3A_775, %swap3A_776] : memref<8192x128xf32, #tpu.memory_space<vmem>>, vector<128x128xf32>
    tpu.vector_store %arg2[%swap3A_775, %swap3A_776], %transpose3A_774 {strides = array<i32>} : memref<8192x128xf32, #tpu.memory_space<vmem>>, vector<128x128xf32>,
    %slice3A_778 = vector.extract_strided_slice %get3A_1 {offsets = [0, 61440], sizes = [16, 128], strides = [1, 1]} : vector<16x65536xf32> to vector<16x128xf32>
    %slice3A_779 = vector.extract_strided_slice %get3A_1 {offsets = [0, 61568], sizes = [16, 128], strides = [1, 1]} : vector<16x65536xf32> to vector<16x128xf32>
    %slice3A_780 = vector.extract_strided_slice %get3A_1 {offsets = [0, 61696], sizes = [16, 128], strides = [1, 1]} : vector<16x65536xf32> to vector<16x128xf32>
    %slice3A_781 = vector.extract_strided_slice %get3A_1 {offsets = [0, 61824], sizes = [16, 128], strides = [1, 1]} : vector<16x65536xf32> to vector<16x128xf32>
    %slice3A_782 = vector.extract_strided_slice %get3A_1 {offsets = [0, 61952], sizes = [16, 128], strides = [1, 1]} : vector<16x65536xf32> to vector<16x128xf32>
    %slice3A_783 = vector.extract_strided_slice %get3A_1 {offsets = [0, 62080], sizes = [16, 128], strides = [1, 1]} : vector<16x65536xf32> to vector<16x128xf32>
    %slice3A_784 = vector.extract_strided_slice %get3A_1 {offsets = [0, 62208], sizes = [16, 128], strides = [1, 1]} : vector<16x65536xf32> to vector<16x128xf32>
    %slice3A_785 = vector.extract_strided_slice %get3A_1 {offsets = [0, 62336], sizes = [16, 128], strides = [1, 1]} : vector<16x65536xf32> to vector<16x128xf32>
    %concatenate3A_786 = tpu.concatenate %slice3A_778, %slice3A_779, %slice3A_780, %slice3A_781, %slice3A_782, %slice3A_783, %slice3A_784, %slice3A_785 in 0 : vector<16x128xf32>, vector<16x128xf32>, vector<16x128xf32>, vector<16x128xf32>, vector<16x128xf32>, vector<16x128xf32>, vector<16x128xf32>, vector<16x128xf32> -> vector<128x128xf32>
    %transpose3A_787 = tpu.transpose %concatenate3A_786, [1, 0] : vector<128x128xf32> -> vector<128x128xf32>
    %swap3A_788 = arith.constant 7680 : index
    %swap3A_789 = arith.constant 0 : index
    %swap3A_790 = vector.load %arg2[%swap3A_788, %swap3A_789] : memref<8192x128xf32, #tpu.memory_space<vmem>>, vector<128x128xf32>
    tpu.vector_store %arg2[%swap3A_788, %swap3A_789], %transpose3A_787 {strides = array<i32>} : memref<8192x128xf32, #tpu.memory_space<vmem>>, vector<128x128xf32>,
    %slice3A_791 = vector.extract_strided_slice %get3A_1 {offsets = [0, 62464], sizes = [16, 128], strides = [1, 1]} : vector<16x65536xf32> to vector<16x128xf32>
    %slice3A_792 = vector.extract_strided_slice %get3A_1 {offsets = [0, 62592], sizes = [16, 128], strides = [1, 1]} : vector<16x65536xf32> to vector<16x128xf32>
    %slice3A_793 = vector.extract_strided_slice %get3A_1 {offsets = [0, 62720], sizes = [16, 128], strides = [1, 1]} : vector<16x65536xf32> to vector<16x128xf32>
    %slice3A_794 = vector.extract_strided_slice %get3A_1 {offsets = [0, 62848], sizes = [16, 128], strides = [1, 1]} : vector<16x65536xf32> to vector<16x128xf32>
    %slice3A_795 = vector.extract_strided_slice %get3A_1 {offsets = [0, 62976], sizes = [16, 128], strides = [1, 1]} : vector<16x65536xf32> to vector<16x128xf32>
    %slice3A_796 = vector.extract_strided_slice %get3A_1 {offsets = [0, 63104], sizes = [16, 128], strides = [1, 1]} : vector<16x65536xf32> to vector<16x128xf32>
    %slice3A_797 = vector.extract_strided_slice %get3A_1 {offsets = [0, 63232], sizes = [16, 128], strides = [1, 1]} : vector<16x65536xf32> to vector<16x128xf32>
    %slice3A_798 = vector.extract_strided_slice %get3A_1 {offsets = [0, 63360], sizes = [16, 128], strides = [1, 1]} : vector<16x65536xf32> to vector<16x128xf32>
    %concatenate3A_799 = tpu.concatenate %slice3A_791, %slice3A_792, %slice3A_793, %slice3A_794, %slice3A_795, %slice3A_796, %slice3A_797, %slice3A_798 in 0 : vector<16x128xf32>, vector<16x128xf32>, vector<16x128xf32>, vector<16x128xf32>, vector<16x128xf32>, vector<16x128xf32>, vector<16x128xf32>, vector<16x128xf32> -> vector<128x128xf32>
    %transpose3A_800 = tpu.transpose %concatenate3A_799, [1, 0] : vector<128x128xf32> -> vector<128x128xf32>
    %swap3A_801 = arith.constant 7808 : index
    %swap3A_802 = arith.constant 0 : index
    %swap3A_803 = vector.load %arg2[%swap3A_801, %swap3A_802] : memref<8192x128xf32, #tpu.memory_space<vmem>>, vector<128x128xf32>
    tpu.vector_store %arg2[%swap3A_801, %swap3A_802], %transpose3A_800 {strides = array<i32>} : memref<8192x128xf32, #tpu.memory_space<vmem>>, vector<128x128xf32>,
    %slice3A_804 = vector.extract_strided_slice %get3A_1 {offsets = [0, 63488], sizes = [16, 128], strides = [1, 1]} : vector<16x65536xf32> to vector<16x128xf32>
    %slice3A_805 = vector.extract_strided_slice %get3A_1 {offsets = [0, 63616], sizes = [16, 128], strides = [1, 1]} : vector<16x65536xf32> to vector<16x128xf32>
    %slice3A_806 = vector.extract_strided_slice %get3A_1 {offsets = [0, 63744], sizes = [16, 128], strides = [1, 1]} : vector<16x65536xf32> to vector<16x128xf32>
    %slice3A_807 = vector.extract_strided_slice %get3A_1 {offsets = [0, 63872], sizes = [16, 128], strides = [1, 1]} : vector<16x65536xf32> to vector<16x128xf32>
    %slice3A_808 = vector.extract_strided_slice %get3A_1 {offsets = [0, 64000], sizes = [16, 128], strides = [1, 1]} : vector<16x65536xf32> to vector<16x128xf32>
    %slice3A_809 = vector.extract_strided_slice %get3A_1 {offsets = [0, 64128], sizes = [16, 128], strides = [1, 1]} : vector<16x65536xf32> to vector<16x128xf32>
    %slice3A_810 = vector.extract_strided_slice %get3A_1 {offsets = [0, 64256], sizes = [16, 128], strides = [1, 1]} : vector<16x65536xf32> to vector<16x128xf32>
    %slice3A_811 = vector.extract_strided_slice %get3A_1 {offsets = [0, 64384], sizes = [16, 128], strides = [1, 1]} : vector<16x65536xf32> to vector<16x128xf32>
    %concatenate3A_812 = tpu.concatenate %slice3A_804, %slice3A_805, %slice3A_806, %slice3A_807, %slice3A_808, %slice3A_809, %slice3A_810, %slice3A_811 in 0 : vector<16x128xf32>, vector<16x128xf32>, vector<16x128xf32>, vector<16x128xf32>, vector<16x128xf32>, vector<16x128xf32>, vector<16x128xf32>, vector<16x128xf32> -> vector<128x128xf32>
    %transpose3A_813 = tpu.transpose %concatenate3A_812, [1, 0] : vector<128x128xf32> -> vector<128x128xf32>
    %swap3A_814 = arith.constant 7936 : index
    %swap3A_815 = arith.constant 0 : index
    %swap3A_816 = vector.load %arg2[%swap3A_814, %swap3A_815] : memref<8192x128xf32, #tpu.memory_space<vmem>>, vector<128x128xf32>
    tpu.vector_store %arg2[%swap3A_814, %swap3A_815], %transpose3A_813 {strides = array<i32>} : memref<8192x128xf32, #tpu.memory_space<vmem>>, vector<128x128xf32>,
    %slice3A_817 = vector.extract_strided_slice %get3A_1 {offsets = [0, 64512], sizes = [16, 128], strides = [1, 1]} : vector<16x65536xf32> to vector<16x128xf32>
    %slice3A_818 = vector.extract_strided_slice %get3A_1 {offsets = [0, 64640], sizes = [16, 128], strides = [1, 1]} : vector<16x65536xf32> to vector<16x128xf32>
    %slice3A_819 = vector.extract_strided_slice %get3A_1 {offsets = [0, 64768], sizes = [16, 128], strides = [1, 1]} : vector<16x65536xf32> to vector<16x128xf32>
    %slice3A_820 = vector.extract_strided_slice %get3A_1 {offsets = [0, 64896], sizes = [16, 128], strides = [1, 1]} : vector<16x65536xf32> to vector<16x128xf32>
    %slice3A_821 = vector.extract_strided_slice %get3A_1 {offsets = [0, 65024], sizes = [16, 128], strides = [1, 1]} : vector<16x65536xf32> to vector<16x128xf32>
    %slice3A_822 = vector.extract_strided_slice %get3A_1 {offsets = [0, 65152], sizes = [16, 128], strides = [1, 1]} : vector<16x65536xf32> to vector<16x128xf32>
    %slice3A_823 = vector.extract_strided_slice %get3A_1 {offsets = [0, 65280], sizes = [16, 128], strides = [1, 1]} : vector<16x65536xf32> to vector<16x128xf32>
    %slice3A_824 = vector.extract_strided_slice %get3A_1 {offsets = [0, 65408], sizes = [16, 128], strides = [1, 1]} : vector<16x65536xf32> to vector<16x128xf32>
    %concatenate3A_825 = tpu.concatenate %slice3A_817, %slice3A_818, %slice3A_819, %slice3A_820, %slice3A_821, %slice3A_822, %slice3A_823, %slice3A_824 in 0 : vector<16x128xf32>, vector<16x128xf32>, vector<16x128xf32>, vector<16x128xf32>, vector<16x128xf32>, vector<16x128xf32>, vector<16x128xf32>, vector<16x128xf32> -> vector<128x128xf32>
    %transpose3A_826 = tpu.transpose %concatenate3A_825, [1, 0] : vector<128x128xf32> -> vector<128x128xf32>
    %swap3A_827 = arith.constant 8064 : index
    %swap3A_828 = arith.constant 0 : index
    %swap3A_829 = vector.load %arg2[%swap3A_827, %swap3A_828] : memref<8192x128xf32, #tpu.memory_space<vmem>>, vector<128x128xf32>
    tpu.vector_store %arg2[%swap3A_827, %swap3A_828], %transpose3A_826 {strides = array<i32>} : memref<8192x128xf32, #tpu.memory_space<vmem>>, vector<128x128xf32>,
    return
  }
  func.func @transform_0(%arg0: i32) -> (i32, i32) {
    %c0_i32 = arith.constant 0 : i32
    %c0_i32_0 = arith.constant 0 : i32
    return %c0_i32, %arg0 : i32, i32
  }
  func.func @transform_1(%arg0: i32) -> (i32, i32) {
    %c0_i32 = arith.constant 0 : i32
    %c0_i32_0 = arith.constant 0 : i32
    return %arg0, %c0_i32 : i32, i32
  }
}

module attributes {stable_mosaic.version = 14 : i64} {
  func.func @_tc_body(%arg0: i32, %arg1: memref<2048x416xf32, #tpu.memory_space<vmem>>, %arg2: memref<2048xi32, #tpu.memory_space<vmem>>, %arg3: memref<1x416xf32, #tpu.memory_space<vmem>>, %arg4: memref<1x416xf32, #tpu.memory_space<vmem>>, %arg5: memref<416x512xf32, #tpu.memory_space<vmem>>, %arg6: memref<1x512xf32, #tpu.memory_space<vmem>>, %arg7: memref<512x256xf32, #tpu.memory_space<vmem>>, %arg8: memref<1x256xf32, #tpu.memory_space<vmem>>, %arg9: memref<4x16xf32, #tpu.memory_space<vmem>>, %arg10: memref<16x256xf32, #tpu.memory_space<vmem>>, %arg11: memref<1x256xf32, #tpu.memory_space<vmem>>, %arg12: memref<256x256xf32, #tpu.memory_space<vmem>>, %arg13: memref<1x256xf32, #tpu.memory_space<vmem>>, %arg14: memref<256x128xf32, #tpu.memory_space<vmem>>, %arg15: memref<1x128xf32, #tpu.memory_space<vmem>>, %arg16: memref<128x64xf32, #tpu.memory_space<vmem>>, %arg17: memref<1x64xf32, #tpu.memory_space<vmem>>, %arg18: memref<1x64xf32, #tpu.memory_space<vmem>>, %arg19: memref<1x1xf32, #tpu.memory_space<smem>>, %arg20: memref<2048xf32, #tpu.memory_space<vmem>>) attributes {dimension_semantics = [#tpu.dimension_semantics<parallel>], iteration_bounds = array<i64: 8>, scalar_prefetch = 0 : i64, scratch_operands = 0 : i64, tpu.core_type = #tpu.core_type<tc>, window_params = [{transform_indices = @transform_0, window_bounds = array<i64: 2048, 416>}, {transform_indices = @transform_1, window_bounds = array<i64: 2048>}, {pipeline_mode = #tpu.pipeline_mode<synchronous>, transform_indices = @transform_2, window_bounds = array<i64: 1, 416>}, {pipeline_mode = #tpu.pipeline_mode<synchronous>, transform_indices = @transform_3, window_bounds = array<i64: 1, 416>}, {pipeline_mode = #tpu.pipeline_mode<synchronous>, transform_indices = @transform_4, window_bounds = array<i64: 416, 512>}, {pipeline_mode = #tpu.pipeline_mode<synchronous>, transform_indices = @transform_5, window_bounds = array<i64: 1, 512>}, {pipeline_mode = #tpu.pipeline_mode<synchronous>, transform_indices = @transform_6, window_bounds = array<i64: 512, 256>}, {pipeline_mode = #tpu.pipeline_mode<synchronous>, transform_indices = @transform_7, window_bounds = array<i64: 1, 256>}, {pipeline_mode = #tpu.pipeline_mode<synchronous>, transform_indices = @transform_8, window_bounds = array<i64: 4, 16>}, {pipeline_mode = #tpu.pipeline_mode<synchronous>, transform_indices = @transform_9, window_bounds = array<i64: 16, 256>}, {pipeline_mode = #tpu.pipeline_mode<synchronous>, transform_indices = @transform_10, window_bounds = array<i64: 1, 256>}, {pipeline_mode = #tpu.pipeline_mode<synchronous>, transform_indices = @transform_11, window_bounds = array<i64: 256, 256>}, {pipeline_mode = #tpu.pipeline_mode<synchronous>, transform_indices = @transform_12, window_bounds = array<i64: 1, 256>}, {pipeline_mode = #tpu.pipeline_mode<synchronous>, transform_indices = @transform_13, window_bounds = array<i64: 256, 128>}, {pipeline_mode = #tpu.pipeline_mode<synchronous>, transform_indices = @transform_14, window_bounds = array<i64: 1, 128>}, {pipeline_mode = #tpu.pipeline_mode<synchronous>, transform_indices = @transform_15, window_bounds = array<i64: 128, 64>}, {pipeline_mode = #tpu.pipeline_mode<synchronous>, transform_indices = @transform_16, window_bounds = array<i64: 1, 64>}, {pipeline_mode = #tpu.pipeline_mode<synchronous>, transform_indices = @transform_17, window_bounds = array<i64: 1, 64>}, {transform_indices = @transform_18, window_bounds = array<i64: 1, 1>}, {transform_indices = @transform_19, window_bounds = array<i64: 2048>}]} {
    %get3A = arith.constant 0 : index
    %get3A_0 = arith.constant 0 : index
    %get3A_1 = vector.load %arg1[%get3A, %get3A_0] : memref<2048x416xf32, #tpu.memory_space<vmem>>, vector<2048x416xf32>
    %reduce_sum3A = arith.constant dense<0.000000e+00> : vector<2048xf32>
    %reduce_sum3A_2 = vector.multi_reduction <add>, %get3A_1, %reduce_sum3A [1] : vector<2048x416xf32> to vector<2048xf32>
    %broadcast_in_dim3A = vector.shape_cast %reduce_sum3A_2 : vector<2048xf32> to vector<2048x1xf32>
    %div3A = arith.constant 4.160000e+02 : f32
    %div3A_3 = vector.broadcast %div3A : f32 to vector<2048x1xf32>
    %div3A_4 = arith.divf %broadcast_in_dim3A, %div3A_3 : vector<2048x1xf32>
    %sub3A = vector.broadcast %div3A_4 : vector<2048x1xf32> to vector<2048x416xf32>
    %sub3A_5 = arith.subf %get3A_1, %sub3A : vector<2048x416xf32>
    %integer_pow3A = arith.mulf %sub3A_5, %sub3A_5 : vector<2048x416xf32>
    %reduce_sum3A_6 = arith.constant dense<0.000000e+00> : vector<2048xf32>
    %reduce_sum3A_7 = vector.multi_reduction <add>, %integer_pow3A, %reduce_sum3A_6 [1] : vector<2048x416xf32> to vector<2048xf32>
    %broadcast_in_dim3A_8 = vector.shape_cast %reduce_sum3A_7 : vector<2048xf32> to vector<2048x1xf32>
    %div3A_9 = arith.constant 4.160000e+02 : f32
    %div3A_10 = vector.broadcast %div3A_9 : f32 to vector<2048x1xf32>
    %div3A_11 = arith.divf %broadcast_in_dim3A_8, %div3A_10 : vector<2048x1xf32>
    %sub3A_12 = vector.broadcast %div3A_4 : vector<2048x1xf32> to vector<2048x416xf32>
    %sub3A_13 = arith.subf %get3A_1, %sub3A_12 : vector<2048x416xf32>
    %add3A = arith.constant 9.99999974E-6 : f32
    %add3A_14 = vector.broadcast %add3A : f32 to vector<2048x1xf32>
    %add3A_15 = arith.addf %div3A_11, %add3A_14 : vector<2048x1xf32>
    %rsqrt3A = math.rsqrt %add3A_15 : vector<2048x1xf32>
    %mul3A = vector.broadcast %rsqrt3A : vector<2048x1xf32> to vector<2048x416xf32>
    %mul3A_16 = arith.mulf %sub3A_13, %mul3A : vector<2048x416xf32>
    %get3A_17 = arith.constant 0 : index
    %get3A_18 = arith.constant 0 : index
    %get3A_19 = vector.load %arg3[%get3A_17, %get3A_18] : memref<1x416xf32, #tpu.memory_space<vmem>>, vector<1x416xf32>
    %mul3A_20 = vector.broadcast %get3A_19 : vector<1x416xf32> to vector<2048x416xf32>
    %mul3A_21 = arith.mulf %mul3A_16, %mul3A_20 : vector<2048x416xf32>
    %get3A_22 = arith.constant 0 : index
    %get3A_23 = arith.constant 0 : index
    %get3A_24 = vector.load %arg4[%get3A_22, %get3A_23] : memref<1x416xf32, #tpu.memory_space<vmem>>, vector<1x416xf32>
    %add3A_25 = vector.broadcast %get3A_24 : vector<1x416xf32> to vector<2048x416xf32>
    %add3A_26 = arith.addf %mul3A_21, %add3A_25 : vector<2048x416xf32>
    %get3A_27 = arith.constant 0 : index
    %get3A_28 = arith.constant 0 : index
    %get3A_29 = vector.load %arg5[%get3A_27, %get3A_28] : memref<416x512xf32, #tpu.memory_space<vmem>>, vector<416x512xf32>
    %dot_general3A = arith.constant dense<0.000000e+00> : vector<2048x512xf32>
    %dot_general3A_30 = tpu.matmul %add3A_26, %get3A_29, %dot_general3A {dimension_numbers = #tpu.dot_dimension_numbers<[1], [0], [0], [1], [0, 0, 1, 1], [], []>, transpose_lhs_hint = false} : vector<2048x416xf32>, vector<416x512xf32>, vector<2048x512xf32> -> vector<2048x512xf32>
    %get3A_31 = arith.constant 0 : index
    %get3A_32 = arith.constant 0 : index
    %get3A_33 = vector.load %arg6[%get3A_31, %get3A_32] : memref<1x512xf32, #tpu.memory_space<vmem>>, vector<1x512xf32>
    %add3A_34 = vector.broadcast %get3A_33 : vector<1x512xf32> to vector<2048x512xf32>
    %add3A_35 = arith.addf %dot_general3A_30, %add3A_34 : vector<2048x512xf32>
    %max3A = arith.constant 0.000000e+00 : f32
    %max3A_36 = vector.broadcast %max3A : f32 to vector<2048x512xf32>
    %max3A_37 = arith.maximumf %add3A_35, %max3A_36 : vector<2048x512xf32>
    %get3A_38 = arith.constant 0 : index
    %get3A_39 = arith.constant 0 : index
    %get3A_40 = vector.load %arg7[%get3A_38, %get3A_39] : memref<512x256xf32, #tpu.memory_space<vmem>>, vector<512x256xf32>
    %dot_general3A_41 = arith.constant dense<0.000000e+00> : vector<2048x256xf32>
    %dot_general3A_42 = tpu.matmul %max3A_37, %get3A_40, %dot_general3A_41 {dimension_numbers = #tpu.dot_dimension_numbers<[1], [0], [0], [1], [0, 0, 1, 1], [], []>, transpose_lhs_hint = false} : vector<2048x512xf32>, vector<512x256xf32>, vector<2048x256xf32> -> vector<2048x256xf32>
    %get3A_43 = arith.constant 0 : index
    %get3A_44 = arith.constant 0 : index
    %get3A_45 = vector.load %arg8[%get3A_43, %get3A_44] : memref<1x256xf32, #tpu.memory_space<vmem>>, vector<1x256xf32>
    %add3A_46 = vector.broadcast %get3A_45 : vector<1x256xf32> to vector<2048x256xf32>
    %add3A_47 = arith.addf %dot_general3A_42, %add3A_46 : vector<2048x256xf32>
    %max3A_48 = arith.constant 0.000000e+00 : f32
    %max3A_49 = vector.broadcast %max3A_48 : f32 to vector<2048x256xf32>
    %max3A_50 = arith.maximumf %add3A_47, %max3A_49 : vector<2048x256xf32>
    %get3A_51 = arith.constant 0 : index
    %get3A_52 = arith.constant 0 : index
    %get3A_53 = vector.load %arg9[%get3A_51, %get3A_52] : memref<4x16xf32, #tpu.memory_space<vmem>>, vector<4x16xf32>
    %get3A_54 = arith.constant 0 : index
    %get3A_55 = arith.constant 0 : index
    %get3A_56 = vector.load %arg10[%get3A_54, %get3A_55] : memref<16x256xf32, #tpu.memory_space<vmem>>, vector<16x256xf32>
    %dot_general3A_57 = arith.constant dense<0.000000e+00> : vector<4x256xf32>
    %dot_general3A_58 = tpu.matmul %get3A_53, %get3A_56, %dot_general3A_57 {dimension_numbers = #tpu.dot_dimension_numbers<[1], [0], [0], [1], [0, 0, 1, 1], [], []>, transpose_lhs_hint = false} : vector<4x16xf32>, vector<16x256xf32>, vector<4x256xf32> -> vector<4x256xf32>
    %get3A_59 = arith.constant 0 : index
    %get3A_60 = arith.constant 0 : index
    %get3A_61 = vector.load %arg11[%get3A_59, %get3A_60] : memref<1x256xf32, #tpu.memory_space<vmem>>, vector<1x256xf32>
    %add3A_62 = vector.broadcast %get3A_61 : vector<1x256xf32> to vector<4x256xf32>
    %add3A_63 = arith.addf %dot_general3A_58, %add3A_62 : vector<4x256xf32>
    %get3A_64 = arith.constant 0 : index
    %get3A_65 = arith.constant 0 : index
    %get3A_66 = vector.load %arg12[%get3A_64, %get3A_65] : memref<256x256xf32, #tpu.memory_space<vmem>>, vector<256x256xf32>
    %dot_general3A_67 = arith.constant dense<0.000000e+00> : vector<4x256xf32>
    %dot_general3A_68 = tpu.matmul %add3A_63, %get3A_66, %dot_general3A_67 {dimension_numbers = #tpu.dot_dimension_numbers<[1], [0], [0], [1], [0, 0, 1, 1], [], []>, transpose_lhs_hint = false} : vector<4x256xf32>, vector<256x256xf32>, vector<4x256xf32> -> vector<4x256xf32>
    %get3A_69 = arith.constant 0 : index
    %get3A_70 = arith.constant 0 : index
    %get3A_71 = vector.load %arg13[%get3A_69, %get3A_70] : memref<1x256xf32, #tpu.memory_space<vmem>>, vector<1x256xf32>
    %add3A_72 = vector.broadcast %get3A_71 : vector<1x256xf32> to vector<4x256xf32>
    %add3A_73 = arith.addf %dot_general3A_68, %add3A_72 : vector<4x256xf32>
    %logistic3A = arith.negf %add3A_73 : vector<4x256xf32>
    %logistic3A_74 = math.exp %logistic3A : vector<4x256xf32>
    %logistic3A_75 = arith.constant 1.000000e+00 : f32
    %logistic3A_76 = vector.broadcast %logistic3A_75 : f32 to vector<4x256xf32>
    %logistic3A_77 = arith.addf %logistic3A_76, %logistic3A_74 : vector<4x256xf32>
    %logistic3A_78 = arith.divf %logistic3A_76, %logistic3A_77 : vector<4x256xf32>
    %mul3A_79 = arith.mulf %add3A_63, %logistic3A_78 : vector<4x256xf32>
    %get3A_80 = arith.constant 0 : index
    %get3A_81 = vector.load %arg2[%get3A_80] : memref<2048xi32, #tpu.memory_space<vmem>>, vector<2048xi32>
    %broadcast_in_dim3A_82 = vector.shape_cast %get3A_81 : vector<2048xi32> to vector<2048x1xi32>
    %iota3A = tpu.iota {dimensions = array<i32: 1>} : vector<1x4xi32>
    %eq3A = vector.broadcast %broadcast_in_dim3A_82 : vector<2048x1xi32> to vector<2048x4xi32>
    %eq3A_83 = vector.broadcast %iota3A : vector<1x4xi32> to vector<2048x4xi32>
    %eq3A_84 = arith.cmpi eq, %eq3A, %eq3A_83 : vector<2048x4xi32>
    %convert_element_type3A = arith.extui %eq3A_84 : vector<2048x4xi1> to vector<2048x4xi32>
    %convert_element_type3A_85 = arith.sitofp %convert_element_type3A : vector<2048x4xi32> to vector<2048x4xf32>
    %dot_general3A_86 = arith.constant dense<0.000000e+00> : vector<2048x256xf32>
    %dot_general3A_87 = tpu.matmul %convert_element_type3A_85, %mul3A_79, %dot_general3A_86 {dimension_numbers = #tpu.dot_dimension_numbers<[1], [0], [0], [1], [0, 0, 1, 1], [], []>, transpose_lhs_hint = false} : vector<2048x4xf32>, vector<4x256xf32>, vector<2048x256xf32> -> vector<2048x256xf32>
    %mul3A_88 = arith.mulf %max3A_50, %dot_general3A_87 : vector<2048x256xf32>
    %get3A_89 = arith.constant 0 : index
    %get3A_90 = arith.constant 0 : index
    %get3A_91 = vector.load %arg14[%get3A_89, %get3A_90] : memref<256x128xf32, #tpu.memory_space<vmem>>, vector<256x128xf32>
    %dot_general3A_92 = arith.constant dense<0.000000e+00> : vector<2048x128xf32>
    %dot_general3A_93 = tpu.matmul %mul3A_88, %get3A_91, %dot_general3A_92 {dimension_numbers = #tpu.dot_dimension_numbers<[1], [0], [0], [1], [0, 0, 1, 1], [], []>, transpose_lhs_hint = false} : vector<2048x256xf32>, vector<256x128xf32>, vector<2048x128xf32> -> vector<2048x128xf32>
    %get3A_94 = arith.constant 0 : index
    %get3A_95 = arith.constant 0 : index
    %get3A_96 = vector.load %arg15[%get3A_94, %get3A_95] : memref<1x128xf32, #tpu.memory_space<vmem>>, vector<1x128xf32>
    %add3A_97 = vector.broadcast %get3A_96 : vector<1x128xf32> to vector<2048x128xf32>
    %add3A_98 = arith.addf %dot_general3A_93, %add3A_97 : vector<2048x128xf32>
    %max3A_99 = arith.constant 0.000000e+00 : f32
    %max3A_100 = vector.broadcast %max3A_99 : f32 to vector<2048x128xf32>
    %max3A_101 = arith.maximumf %add3A_98, %max3A_100 : vector<2048x128xf32>
    %get3A_102 = arith.constant 0 : index
    %get3A_103 = arith.constant 0 : index
    %get3A_104 = vector.load %arg16[%get3A_102, %get3A_103] : memref<128x64xf32, #tpu.memory_space<vmem>>, vector<128x64xf32>
    %dot_general3A_105 = arith.constant dense<0.000000e+00> : vector<2048x64xf32>
    %dot_general3A_106 = tpu.matmul %max3A_101, %get3A_104, %dot_general3A_105 {dimension_numbers = #tpu.dot_dimension_numbers<[1], [0], [0], [1], [0, 0, 1, 1], [], []>, transpose_lhs_hint = false} : vector<2048x128xf32>, vector<128x64xf32>, vector<2048x64xf32> -> vector<2048x64xf32>
    %get3A_107 = arith.constant 0 : index
    %get3A_108 = arith.constant 0 : index
    %get3A_109 = vector.load %arg17[%get3A_107, %get3A_108] : memref<1x64xf32, #tpu.memory_space<vmem>>, vector<1x64xf32>
    %add3A_110 = vector.broadcast %get3A_109 : vector<1x64xf32> to vector<2048x64xf32>
    %add3A_111 = arith.addf %dot_general3A_106, %add3A_110 : vector<2048x64xf32>
    %max3A_112 = arith.constant 0.000000e+00 : f32
    %max3A_113 = vector.broadcast %max3A_112 : f32 to vector<2048x64xf32>
    %max3A_114 = arith.maximumf %add3A_111, %max3A_113 : vector<2048x64xf32>
    %get3A_115 = arith.constant 0 : index
    %get3A_116 = arith.constant 0 : index
    %get3A_117 = vector.load %arg18[%get3A_115, %get3A_116] : memref<1x64xf32, #tpu.memory_space<vmem>>, vector<1x64xf32>
    %mul3A_118 = vector.broadcast %get3A_117 : vector<1x64xf32> to vector<2048x64xf32>
    %mul3A_119 = arith.mulf %max3A_114, %mul3A_118 : vector<2048x64xf32>
    %reduce_sum3A_120 = arith.constant dense<0.000000e+00> : vector<2048xf32>
    %reduce_sum3A_121 = vector.multi_reduction <add>, %mul3A_119, %reduce_sum3A_120 [1] : vector<2048x64xf32> to vector<2048xf32>
    %get3A_122 = arith.constant 0 : index
    %get3A_123 = arith.constant 0 : index
    %get3A_124 = memref.load %arg19[%get3A_122, %get3A_123] : memref<1x1xf32, #tpu.memory_space<smem>>
    %add3A_125 = vector.broadcast %get3A_124 : f32 to vector<2048xf32>
    %add3A_126 = arith.addf %reduce_sum3A_121, %add3A_125 : vector<2048xf32>
    %logistic3A_127 = arith.negf %add3A_126 : vector<2048xf32>
    %logistic3A_128 = math.exp %logistic3A_127 : vector<2048xf32>
    %logistic3A_129 = arith.constant 1.000000e+00 : f32
    %logistic3A_130 = vector.broadcast %logistic3A_129 : f32 to vector<2048xf32>
    %logistic3A_131 = arith.addf %logistic3A_130, %logistic3A_128 : vector<2048xf32>
    %logistic3A_132 = arith.divf %logistic3A_130, %logistic3A_131 : vector<2048xf32>
    %swap3A = arith.constant 0 : index
    %swap3A_133 = vector.load %arg20[%swap3A] : memref<2048xf32, #tpu.memory_space<vmem>>, vector<2048xf32>
    tpu.vector_store %arg20[%swap3A], %logistic3A_132 {strides = array<i32>} : memref<2048xf32, #tpu.memory_space<vmem>>, vector<2048xf32>,
    return
  }
  func.func @transform_0(%arg0: i32) -> (i32, i32) {
    %c0_i32 = arith.constant 0 : i32
    %c0_i32_0 = arith.constant 0 : i32
    return %arg0, %c0_i32 : i32, i32
  }
  func.func @transform_1(%arg0: i32) -> i32 {
    %c0_i32 = arith.constant 0 : i32
    return %arg0 : i32
  }
  func.func @transform_2(%arg0: i32) -> (i32, i32) {
    %c0_i32 = arith.constant 0 : i32
    %c0_i32_0 = arith.constant 0 : i32
    %c0_i32_1 = arith.constant 0 : i32
    return %c0_i32, %c0_i32_0 : i32, i32
  }
  func.func @transform_3(%arg0: i32) -> (i32, i32) {
    %c0_i32 = arith.constant 0 : i32
    %c0_i32_0 = arith.constant 0 : i32
    %c0_i32_1 = arith.constant 0 : i32
    return %c0_i32, %c0_i32_0 : i32, i32
  }
  func.func @transform_4(%arg0: i32) -> (i32, i32) {
    %c0_i32 = arith.constant 0 : i32
    %c0_i32_0 = arith.constant 0 : i32
    %c0_i32_1 = arith.constant 0 : i32
    return %c0_i32, %c0_i32_0 : i32, i32
  }
  func.func @transform_5(%arg0: i32) -> (i32, i32) {
    %c0_i32 = arith.constant 0 : i32
    %c0_i32_0 = arith.constant 0 : i32
    %c0_i32_1 = arith.constant 0 : i32
    return %c0_i32, %c0_i32_0 : i32, i32
  }
  func.func @transform_6(%arg0: i32) -> (i32, i32) {
    %c0_i32 = arith.constant 0 : i32
    %c0_i32_0 = arith.constant 0 : i32
    %c0_i32_1 = arith.constant 0 : i32
    return %c0_i32, %c0_i32_0 : i32, i32
  }
  func.func @transform_7(%arg0: i32) -> (i32, i32) {
    %c0_i32 = arith.constant 0 : i32
    %c0_i32_0 = arith.constant 0 : i32
    %c0_i32_1 = arith.constant 0 : i32
    return %c0_i32, %c0_i32_0 : i32, i32
  }
  func.func @transform_8(%arg0: i32) -> (i32, i32) {
    %c0_i32 = arith.constant 0 : i32
    %c0_i32_0 = arith.constant 0 : i32
    %c0_i32_1 = arith.constant 0 : i32
    return %c0_i32, %c0_i32_0 : i32, i32
  }
  func.func @transform_9(%arg0: i32) -> (i32, i32) {
    %c0_i32 = arith.constant 0 : i32
    %c0_i32_0 = arith.constant 0 : i32
    %c0_i32_1 = arith.constant 0 : i32
    return %c0_i32, %c0_i32_0 : i32, i32
  }
  func.func @transform_10(%arg0: i32) -> (i32, i32) {
    %c0_i32 = arith.constant 0 : i32
    %c0_i32_0 = arith.constant 0 : i32
    %c0_i32_1 = arith.constant 0 : i32
    return %c0_i32, %c0_i32_0 : i32, i32
  }
  func.func @transform_11(%arg0: i32) -> (i32, i32) {
    %c0_i32 = arith.constant 0 : i32
    %c0_i32_0 = arith.constant 0 : i32
    %c0_i32_1 = arith.constant 0 : i32
    return %c0_i32, %c0_i32_0 : i32, i32
  }
  func.func @transform_12(%arg0: i32) -> (i32, i32) {
    %c0_i32 = arith.constant 0 : i32
    %c0_i32_0 = arith.constant 0 : i32
    %c0_i32_1 = arith.constant 0 : i32
    return %c0_i32, %c0_i32_0 : i32, i32
  }
  func.func @transform_13(%arg0: i32) -> (i32, i32) {
    %c0_i32 = arith.constant 0 : i32
    %c0_i32_0 = arith.constant 0 : i32
    %c0_i32_1 = arith.constant 0 : i32
    return %c0_i32, %c0_i32_0 : i32, i32
  }
  func.func @transform_14(%arg0: i32) -> (i32, i32) {
    %c0_i32 = arith.constant 0 : i32
    %c0_i32_0 = arith.constant 0 : i32
    %c0_i32_1 = arith.constant 0 : i32
    return %c0_i32, %c0_i32_0 : i32, i32
  }
  func.func @transform_15(%arg0: i32) -> (i32, i32) {
    %c0_i32 = arith.constant 0 : i32
    %c0_i32_0 = arith.constant 0 : i32
    %c0_i32_1 = arith.constant 0 : i32
    return %c0_i32, %c0_i32_0 : i32, i32
  }
  func.func @transform_16(%arg0: i32) -> (i32, i32) {
    %c0_i32 = arith.constant 0 : i32
    %c0_i32_0 = arith.constant 0 : i32
    %c0_i32_1 = arith.constant 0 : i32
    return %c0_i32, %c0_i32_0 : i32, i32
  }
  func.func @transform_17(%arg0: i32) -> (i32, i32) {
    %c0_i32 = arith.constant 0 : i32
    %c0_i32_0 = arith.constant 0 : i32
    %c0_i32_1 = arith.constant 0 : i32
    return %c0_i32, %c0_i32_0 : i32, i32
  }
  func.func @transform_18(%arg0: i32) -> (i32, i32) {
    %c0_i32 = arith.constant 0 : i32
    %c0_i32_0 = arith.constant 0 : i32
    %c0_i32_1 = arith.constant 0 : i32
    return %c0_i32, %c0_i32_0 : i32, i32
  }
  func.func @transform_19(%arg0: i32) -> i32 {
    %c0_i32 = arith.constant 0 : i32
    return %arg0 : i32
  }
}

</mosaic_0001>

<sc_bundles>
// kernel: kernel.5.cloned.1.call-start
scs
__scs_entry_jumppad:
0x0: {  	(pc) =	sbr.rel $0x88, $3  }
0x1: {  	(tag) =	ssettag $0x0;
	lr =	simm.s32 $0x1  }
0x2: {  	[smem:$0x3F8D] =	sst lr;
	_ =	strace $0xD0000000  }
0x3: {  	_ = 	snop  }
0x4: {  	_ = 	snop  }
0x5: {  	_ = 	snop  }
0x6: {  	_ = 	snop  }
0x7: {  	_ = 	snop  }
__scs_overlays_trampoline_lowered:
0x8: {  	[smem:$0x3F9C] =	sst s0  }
0x9: {  	[smem:$0x3F9D] =	sst s1  }
0xa: {  	[smem:$0x3F9E] =	sst s2  }
0xb: {  	[smem:$0x3F9F] =	sst s3  }
0xc: {  	[smem:$0x3FA0] =	sst s4  }
0xd: {  	[smem:$0x3FA1] =	sst s5  }
0xe: {  	[smem:$0x3FA2] =	sst s6  }
0xf: {  	[smem:$0x3FA3] =	sst s7  }
0x10: {  	[smem:$0x3FA4] =	sst s8  }
0x11: {  	[smem:$0x3FA5] =	sst s9;
	s0 =	simm.s32 @!p0 $0x0  }
0x12: {  	s1 =	sld [smem:$0x3F8B];
	s0 =	simm.s32 @p0 $0x1  }
0x13: {  	[smem:$0x3FA6] =	sst s0;
	s0 =	simm.s32 @!p1 $0x0  }
0x14: {  	s2 =	sld [smem:$0x3F8A];
	s0 =	simm.s32 @p1 $0x1  }
0x15: {  	[smem:$0x3FA7] =	sst s0;
	s0 =	simm.s32 @!p2 $0x0  }
0x16: {  	s3 =	sld [smem:$0x3FDB];
	s0 =	simm.s32 @p2 $0x1  }
0x17: {  	s4 =	simm.s32 $0x1BF5;
	[smem:$0x3FA9] =	sst s0  }
0x18: {  	s0 =	sld [smem:$0x3F8C];
	_ =	swait.ge [sflag:s4], $0x0  }
0x19: {  	s7 =	sld [smem:$0x3F8D]  }
0x1a: {  	s8 =	sadd.s32 $0xFFFFE003, lr  }
0x1b: {  	s9 =	sadd.s32 $0xFFFFFEF7, lr;
	s5 =	simm.s32 $0xFFFFFFFF;
	p2 =	slt.u32 s8, $0xFFFFF086  }
0x1c: {  	p1 =	slt.u32 s9, $0xF7A;
	s5 =	simm.s32 @!p2 $0x0  }
0x1d: {  	s5 =	simm.s32 @p1 $0x1;
	p0 =	seq.s32 s7, s2  }
0x1e: {  	s7 =	smul.u32 @!p0 $0xF7A, s2;
	p2 =	seq.s32 @!p0 s5, $0x0  }
0x1f: {  	s9 =	smul.u32 $0xF7A, s1;
	s8 =	simm.s32 @!p0 $0x1BF5;
	p2 =	por !p2, p0  }
0x20: {  	[sflag:s8] =	ssyncset.s32 @!p0 $0xFFFFF086;
	s6 =	sadd.s32 @!p0 s3, s7;
	s7 =	simm.s32 @!p0 $0x108  }
0x21: {  	s3 =	sadd.s32 s3, s9;
	s6 =	sadd.s32 @!p0 $0x88, s6;
	s7 =	simm.s32 @p2 $0x1082  }
0x22: {  	[simem:s7], [sflag:s8] =	dma.local @!p0 [hbm:s6], $0xF7A  }
0x23: {  	s9 =	sor.u32 $0xD0000000, s2;
	s6 =	simm.s32 $0x108;
	_ =	swait.ge @!p0 [sflag:s8], $0x0  }
0x24: {  	s3 =	sadd.s32 $0x88, s3;
	s6 =	simm.s32 @!p1 $0x1082;
	[sflag:s4] =	ssyncset.s32 $0xFFFFF086  }
0x25: {  	[simem:s6], [sflag:s4] =	dma.local [hbm:s3], $0xF7A  }
0x26: {  	[smem:$0x3F8D] =	sst s1;
	(tag) =	ssettag s2;
	_ =	strace s9  }
0x27: {  	s1 =	sld [smem:$0x3F9D]  }
0x28: {  	s2 =	sld [smem:$0x3F9E]  }
0x29: {  	s4 =	sld [smem:$0x3FA0]  }
0x2a: {  	p0 =	seq.s32 s5, $0x0;
	s5 =	sld [smem:$0x3FA1]  }
0x2b: {  	s6 =	sld [smem:$0x3FA2]  }
0x2c: {  	s7 =	sld [smem:$0x3FA3]  }
0x2d: {  	s3 =	simm.s32 $0x108;
	s8 =	sld [smem:$0x3FA4]  }
0x2e: {  	s3 =	simm.s32 @!p0 $0x1082;
	s9 =	sld [smem:$0x3FA5]  }
0x2f: {  	lr =	sadd.s32 s0, s3;
	s0 =	sld [smem:$0x3F9C]  }
0x30: {  	s3 =	sld [smem:$0x3F9F]  }
0x31: {  	[smem:$0x3FA8] =	sst s10  }
0x32: {  	s10 =	sld [smem:$0x3FA6];
	_ =	sdelay $0x3  }
0x33: {  	p0 =	seq.s32 s10, $0x1;
	s10 =	sld [smem:$0x3FA8];
	_ =	sdelay $0x3  }
0x34: {  	[smem:$0x3FA8] =	sst s10  }
0x35: {  	s10 =	sld [smem:$0x3FA7];
	_ =	sdelay $0x3  }
0x36: {  	p1 =	seq.s32 s10, $0x1;
	s10 =	sld [smem:$0x3FA8];
	_ =	sdelay $0x3  }
0x37: {  	[smem:$0x3FA8] =	sst s10  }
0x38: {  	s10 =	sld [smem:$0x3FA9]  }
0x39: {  	_ = 	snop;
	(pc) =	sbr.ind lr, $3  }
0x3a: {  	_ = 	snop  }
0x3b: {  	_ = 	snop  }
0x3c: {  	p2 =	seq.s32 s10, $0x1;
	s10 =	sld [smem:$0x3FA8]  }
0x3d: {  	_ =	shalt  }
0x3e: {  	_ =	shalt  }
0x3f: {  	_ =	shalt  }
0x40: {  	_ =	shalt  }
0x41: {  	_ =	shalt  }
0x42: {  	_ =	shalt  }
0x43: {  	_ =	shalt  }
0x44: {  	_ =	shalt  }
0x45: {  	_ =	shalt  }
0x46: {  	_ =	shalt  }
0x47: {  	_ =	shalt  }
0x48: {  	_ =	shalt  }
0x49: {  	_ =	shalt  }
0x4a: {  	_ =	shalt  }
0x4b: {  	_ =	shalt  }
0x4c: {  	_ =	shalt  }
0x4d: {  	_ =	shalt  }
0x4e: {  	_ =	shalt  }
0x4f: {  	_ =	shalt  }
0x50: {  	_ =	shalt  }
0x51: {  	_ =	shalt  }
0x52: {  	_ =	shalt  }
0x53: {  	_ =	shalt  }
0x54: {  	_ =	shalt  }
0x55: {  	_ =	shalt  }
0x56: {  	_ =	shalt  }
0x57: {  	_ =	shalt  }
0x58: {  	_ =	shalt  }
0x59: {  	_ =	shalt  }
0x5a: {  	_ =	shalt  }
0x5b: {  	_ =	shalt  }
0x5c: {  	_ =	shalt  }
0x5d: {  	_ =	shalt  }
0x5e: {  	_ =	shalt  }
0x5f: {  	_ =	shalt  }
0x60: {  	_ =	shalt  }
0x61: {  	_ =	shalt  }
0x62: {  	_ =	shalt  }
0x63: {  	_ =	shalt  }
0x64: {  	_ =	shalt  }
0x65: {  	_ =	shalt  }
0x66: {  	_ =	shalt  }
0x67: {  	_ =	shalt  }
0x68: {  	_ =	shalt  }
0x69: {  	_ =	shalt  }
0x6a: {  	_ =	shalt  }
0x6b: {  	_ =	shalt  }
0x6c: {  	_ =	shalt  }
0x6d: {  	_ =	shalt  }
0x6e: {  	_ =	shalt  }
0x6f: {  	_ =	shalt  }
0x70: {  	_ =	shalt  }
0x71: {  	_ =	shalt  }
0x72: {  	_ =	shalt  }
0x73: {  	_ =	shalt  }
0x74: {  	_ =	shalt  }
0x75: {  	_ =	shalt  }
0x76: {  	_ =	shalt  }
0x77: {  	_ =	shalt  }
0x78: {  	_ =	shalt  }
0x79: {  	_ =	shalt  }
0x7a: {  	_ =	shalt  }
0x7b: {  	_ =	shalt  }
0x7c: {  	_ =	shalt  }
0x7d: {  	_ =	shalt  }
0x7e: {  	_ =	shalt  }
0x7f: {  	_ =	shalt  }
0x80: {  	_ =	shalt  }
0x81: {  	_ =	shalt  }
0x82: {  	_ =	shalt  }
0x83: {  	_ =	shalt  }
0x84: {  	_ =	shalt  }
0x85: {  	_ =	shalt  }
0x86: {  	_ =	shalt  }
0x87: {  	_ =	shalt  }
.Lfunc_end0:
.L_simem_size_0:
called_computation_lowered:
.L_overlay_start_0:
0x88: {  	s2 =	sld [smem:$0x3FD9]  }
0x89: {  	s3 =	sld [smem:$0x3FFE];
	_ =	sdelay $0x1  }
0x8a: {  	s1 =	srdreg.scid  }
0x8b: {  	s0 =	sand.u32 $0x1, s1  }
0x8c: {  	s16 =	sshll.u32 s0, $0xA;
	s2 =	sadd.s32 s3, s2  }
0x8d: {  	s2 =	sadd.s32 s2, s16  }
0x8e: {  	[smem:$0x3FB4] =	sst s2  }
0x8f: {  	_ = 	snop  }
0x90: {  	(tm) =	ssettm $0x1  }
0x91: {  	s17 =	sld [smem:$0x3FFB];
	_ =	sdelay $0x3  }
0x92: {  	_ =	strace s17  }
0x93: {  	s2 =	sld [smem:$0x3FFC];
	_ =	sdelay $0x3  }
0x94: {  	_ =	strace s2  }
0x95: {  	s2 =	sld [smem:$0x3FFD];
	_ =	sdelay $0x3  }
0x96: {  	_ =	strace s2  }
0x97: {  	_ =	strace $0x8FFFFFFF  }
0x98: {  	s18 =	sld [smem:$0x3FDB];
	_ =	sdelay $0x1  }
0x99: {  	s19 =	simm.s32 $_scs_section_size  }
0x9a: {  	s4 =	simm.s32 $_size__tile_overlayer_lowered;
	s5 =	simm.s32 $_tile_overlayer_lowered  }
0x9b: {  	s22 =	simm.s32 $0x1BFF;
	s21 =	sshll.u32 s5, $0x1;
	s2 =	sadd.s32 s19, s18  }
0x9c: {  	s6 =	simm.s32 $0x0;
	s20 =	sshll.u32 s4, $0x1;
	s4 =	sadd.s32 s21, s2  }
0x9d: {  	[timem:s6], [sflag:s22] =	dma.local [hbm:s4], s20  }
0x9e: {  	_ =	swait.ge [sflag:s22], s20  }
0x9f: {  	s3 =	ssub.s32 $0x0, s20;
	[sflag:s22] =	ssyncset.done $0x0  }
0xa0: {  	[sflag:s22] =	ssyncadd.s32 s3;
	_ =	sdelay $0x1  }
0xa1: {  	s23 =	simm.s32 $0x1B8B  }
0xa2: {  	_ =	swait.ge [sflag:s23], $0x1  }
0xa3: {  	[sflag:s23] =	ssyncset.done $0x0  }
0xa4: {  	s25 =	simm.s32 $0x1B8E;
	s24 =	sld [smem:$0x3FFE];
	[sflag:s23] =	ssyncadd.s32 $0xFFFFFFFF  }
0xa5: {  	s26 =	simm.s32 $execute0_lowered;
	[smem:$0x3FD2] =	sst s25  }
0xa6: {  	s4 =	sshll.u32 s26, $0x1;
	_ =	strace $0x80000046;
	[dreg:$0x1] =	wrdreg $0xFFFFFFFF  }
0xa7: {  	s28 =	simm.s32 $_size_execute0_lowered;
	s2 =	sadd.s32 s2, s4;
	[dreg:$0x0] =	wrdreg $0x0  }
0xa8: {  	s4 =	sshll.u32 s28, $0x1;
	[dreg:$0x2] =	wrdreg s2  }
0xa9: {  	[dreg:$0x3] =	wrdreg s4  }
0xaa: {  	[dreg:$0x4] =	wrdreg $0xC0  }
0xab: {  	_ =	task [dreg:s6], $0x5FFFF  }
0xac: {  	[dreg:$0x1] =	wrdreg $0xFFFFFFFF  }
0xad: {  	[dreg:$0x0] =	wrdreg $0x60  }
0xae: {  	[dreg:$0x2] =	wrdreg s24  }
0xaf: {  	[dreg:$0x3] =	wrdreg $0x9  }
0xb0: {  	_ =	task.clear_ibuf [dreg:s6], $0x4FFFF;
	_ =	strace $0x90000046  }
0xb1: {  	s29 =	simm.s32 $0x9;
	_ =	strace $0x80000048  }
0xb2: {  	_ =	swait.ge [sflag:s29], $0x1  }
0xb3: {  	[sflag:s29] =	ssyncadd.s32 $0xFFFFFFFF  }
0xb4: {  	_ =	strace $0x90000048  }
0xb5: {  	_ =	sfence  }
0xb6: {  	s30 =	sld [smem:$0x0];
	_ =	sdelay $0x2  }
0xb7: {  	s31 =	sshll.u32 s1, $0xD;
	s1 =	sshrl.u32 s1, $0x2  }
0xb8: {  	s3 =	sand.u32 $0x4000, s31;
	s1 =	sadd.s32 s1, s30  }
0xb9: {  	s0 =	sor.u32 s3, s0;
	s1 =	sshll.u32 s1, $0x11  }
0xba: {  	s0 =	sor.u32 s1, s0  }
0xbb: {  	s0 =	sadd.s32 $0x8F2B, s0  }
0xbc: {  	[sflag:s0] =	ssyncadd.remote.s32 $0x1  }
0xbd: {  	_ =	sfence.sel $0xFFFF  }
0xbe: {  	[dreg:$0x0] =	wrdreg $0xFFFFFFFF;
	(pc) =	sbr.abs _section_cstart, $3  }
0xbf: {  	[dreg:$0x1] =	wrdreg $0xFFFFFFFF  }
0xc0: {  	_ =	task.clear_ibuf [dreg:s6], $0x2FFFF;
	_ =	strace $0x9FFFFFFF  }
0xc1: {  	(tm) =	ssettm $0x7FFFFFFF  }
tec
execute0_lowered:
.L_overlay_start_1:
0x0: {  	(tag) =	ssettag $0x1  }
0x1: {  	s1 =	srdreg.scid;
	s0 =	stileid.u32  }
0x2: {  	s26 =	sand.u32 $0x1, s1;
	s31 =	sshll.u32 s0, $0x1  }
0x3: {  	s10 =	sor.u32 s26, s31  }
0x4: {  	s3 =	smul.u32 $0x680, s10  }
0x5: {  	s9 =	rddreg [dreg:$0x0];
	s2 =	simm.s32 $0x0  }
0x6: {  	s4 =	simm.s32 $0x5;
	[smem:$0x7FF] =	sst s2;
	s3 =	sadd.s32 s3, s9  }
0x7: {  	s1 =	rddreg [dreg:$0x1];
	_ =	strace $0x80000047;
	s3 =	sadd.s32 $0x202800, s3  }
0x8: {  	[tilespmem:s2], [sflag:$0x5] =	stream.linear.gather [hbm4b:s3+s2], $0x3400, $0x38;
	[tilespmem:$0x10400] =	vst v63  }
0x9: {  	_ =	swait.ge [sflag:s4], $0x3400  }
0xa: {  	s6 =	simm.s32 $0x680;
	s7 =	simm.s32 $0x3400;
	[sflag:s4] =	ssyncset.done $0x0  }
0xb: {  	s8 =	simm.s32 $0x1;
	s5 =	sadd.s32 $0x2800, s9;
	[sflag:s4] =	ssyncadd.s32 $0xFFFFCC00  }
0xc: {  	[tilespmem:s7], [sflag:$0x1] =	stream.indirect.gather [hbm4b:s5+s6], $0x10, s2, s6, $0xb8;
	[tilespmem:$0x10400] =	vst v63  }
0xd: {  	s11 =	smul.u32 $0x6800, s10;
	_ =	swait.ge [sflag:s8], $0x6800  }
0xe: {  	s12 =	sadd.s32 $0x20F800, s9;
	[sflag:s8] =	ssyncset.done $0x0  }
0xf: {  	s9 =	sadd.s32 s12, s11;
	[sflag:s8] =	ssyncadd.s32 $0xFFFF9800  }
0x10: {  	[hbm4b:s9+s2] =	stream.linear.scatter [tilespmem:s7], [sflag:$0x3], $0x6800, $0x38;
	[tilespmem:$0x10400] =	vst v63  }
0x11: {  	s13 =	smul.u32 $0x34000, s10;
	s10 =	simm.s32 $0x9C00;
	s11 =	simm.s32 $0x2  }
0x12: {  	[tilespmem:s10], [sflag:$0x2] =	stream.indirect.gather [hbm4b:s5+s6], $0x10, s6, s6, $0xb8;
	[tilespmem:$0x10400] =	vst v63  }
0x13: {  	s13 =	sshrl.u32 s13, $0x3;
	_ =	swait.ge [sflag:s11], $0x6800  }
0x14: {  	s28 =	sadd.s32 s12, s13;
	[sflag:s11] =	ssyncset.done $0x0  }
0x15: {  	s13 =	simm.s32 $0x3;
	s12 =	sadd.s32 $0xD00, s28;
	[sflag:s11] =	ssyncadd.s32 $0xFFFF9800  }
0x16: {  	[hbm4b:s12+s2] =	stream.linear.scatter [tilespmem:s10], [sflag:$0x4], $0x6800, $0x38;
	[tilespmem:$0x10400] =	vst v63  }
0x17: {  	_ =	swait.ge [sflag:s13], $0x6800  }
0x18: {  	[sflag:s13] =	ssyncset.done $0x0  }
0x19: {  	s14 =	simm.s32 $0xD00;
	[sflag:s13] =	ssyncadd.s32 $0xFFFF9800  }
0x1a: {  	[tilespmem:s7], [sflag:$0x1] =	stream.indirect.gather [hbm4b:s5+s6], $0x10, s14, s6, $0xb8;
	[tilespmem:$0x10400] =	vst v63  }
0x1b: {  	_ =	swait.ge [sflag:s8], $0x6800  }
0x1c: {  	[sflag:s8] =	ssyncset.done $0x0  }
0x1d: {  	s15 =	simm.s32 $0x4;
	s16 =	sadd.s32 $0x1A00, s28;
	[sflag:s8] =	ssyncadd.s32 $0xFFFF9800  }
0x1e: {  	[hbm4b:s16+s2] =	stream.linear.scatter [tilespmem:s7], [sflag:$0x3], $0x6800, $0x38;
	[tilespmem:$0x10400] =	vst v63  }
0x1f: {  	_ =	swait.ge [sflag:s15], $0x6800  }
0x20: {  	[sflag:s15] =	ssyncset.done $0x0  }
0x21: {  	s17 =	simm.s32 $0x1380;
	[sflag:s15] =	ssyncadd.s32 $0xFFFF9800  }
0x22: {  	[tilespmem:s10], [sflag:$0x2] =	stream.indirect.gather [hbm4b:s5+s6], $0x10, s17, s6, $0xb8;
	[tilespmem:$0x10400] =	vst v63  }
0x23: {  	_ =	swait.ge [sflag:s11], $0x6800  }
0x24: {  	[sflag:s11] =	ssyncset.done $0x0  }
0x25: {  	s18 =	sadd.s32 $0x2700, s28;
	[sflag:s11] =	ssyncadd.s32 $0xFFFF9800  }
0x26: {  	[hbm4b:s18+s2] =	stream.linear.scatter [tilespmem:s10], [sflag:$0x4], $0x6800, $0x38;
	[tilespmem:$0x10400] =	vst v63  }
0x27: {  	_ =	swait.ge [sflag:s13], $0x6800  }
0x28: {  	[sflag:s13] =	ssyncset.done $0x0  }
0x29: {  	s19 =	simm.s32 $0x1A00;
	[sflag:s13] =	ssyncadd.s32 $0xFFFF9800  }
0x2a: {  	[tilespmem:s7], [sflag:$0x1] =	stream.indirect.gather [hbm4b:s5+s6], $0x10, s19, s6, $0xb8;
	[tilespmem:$0x10400] =	vst v63  }
0x2b: {  	_ =	swait.ge [sflag:s8], $0x6800  }
0x2c: {  	[sflag:s8] =	ssyncset.done $0x0  }
0x2d: {  	s20 =	sadd.s32 $0x3400, s28;
	[sflag:s8] =	ssyncadd.s32 $0xFFFF9800  }
0x2e: {  	[hbm4b:s20+s2] =	stream.linear.scatter [tilespmem:s7], [sflag:$0x3], $0x6800, $0x38;
	[tilespmem:$0x10400] =	vst v63  }
0x2f: {  	_ =	swait.ge [sflag:s15], $0x6800  }
0x30: {  	[sflag:s15] =	ssyncset.done $0x0  }
0x31: {  	s21 =	simm.s32 $0x2080;
	[sflag:s15] =	ssyncadd.s32 $0xFFFF9800  }
0x32: {  	[tilespmem:s10], [sflag:$0x2] =	stream.indirect.gather [hbm4b:s5+s6], $0x10, s21, s6, $0xb8;
	[tilespmem:$0x10400] =	vst v63  }
0x33: {  	_ =	swait.ge [sflag:s11], $0x6800  }
0x34: {  	[sflag:s11] =	ssyncset.done $0x0  }
0x35: {  	s22 =	sadd.s32 $0x4100, s28;
	[sflag:s11] =	ssyncadd.s32 $0xFFFF9800  }
0x36: {  	[hbm4b:s22+s2] =	stream.linear.scatter [tilespmem:s10], [sflag:$0x4], $0x6800, $0x38;
	[tilespmem:$0x10400] =	vst v63  }
0x37: {  	_ =	swait.ge [sflag:s13], $0x6800  }
0x38: {  	[sflag:s13] =	ssyncset.done $0x0  }
0x39: {  	s23 =	simm.s32 $0x2700;
	[sflag:s13] =	ssyncadd.s32 $0xFFFF9800  }
0x3a: {  	[tilespmem:s7], [sflag:$0x1] =	stream.indirect.gather [hbm4b:s5+s6], $0x10, s23, s6, $0xb8;
	[tilespmem:$0x10400] =	vst v63  }
0x3b: {  	_ =	swait.ge [sflag:s8], $0x6800  }
0x3c: {  	[sflag:s8] =	ssyncset.done $0x0  }
0x3d: {  	s24 =	sadd.s32 $0x4E00, s28;
	[sflag:s8] =	ssyncadd.s32 $0xFFFF9800  }
0x3e: {  	[hbm4b:s24+s2] =	stream.linear.scatter [tilespmem:s7], [sflag:$0x3], $0x6800, $0x38;
	[tilespmem:$0x10400] =	vst v63  }
0x3f: {  	_ =	swait.ge [sflag:s15], $0x6800  }
0x40: {  	s25 =	simm.s32 $0x2D80;
	s29 =	ssub.s32 $0x2, s26;
	[sflag:s15] =	ssyncset.done $0x0  }
0x41: {  	s26 =	sadd.s32 $0x5B00, s28;
	s28 =	sshrl.u32 s29, $0x1;
	[sflag:s15] =	ssyncadd.s32 $0xFFFF9800  }
0x42: {  	[tilespmem:s10], [sflag:$0x2] =	stream.indirect.gather [hbm4b:s5+s6], $0x10, s25, s6, $0xb8;
	[tilespmem:$0x10400] =	vst v63  }
0x43: {  	s28 =	ssub.s32 s29, s28;
	_ =	swait.ge [sflag:s11], $0x6800  }
0x44: {  	s28 =	smax.u32 s28, $0x1;
	[sflag:s11] =	ssyncset.done $0x0  }
0x45: {  	p0 =	sne.s32 s28, $0x1;
	[sflag:s11] =	ssyncadd.s32 $0xFFFF9800  }
0x46: {  	[hbm4b:s26+s2] =	stream.linear.scatter [tilespmem:s10], [sflag:$0x4], $0x6800, $0x38;
	[tilespmem:$0x10400] =	vst v63  }
.Ltmp0:
0x47: {  	_ =	swait.ge [sflag:s13], $0x6800;
	(pc) =	sbr.rel @!p0 .LBB2_2-.Ltmp0, $4  }
0x48: {  	[sflag:s13] =	ssyncset.done $0x0  }
0x49: {  	[sflag:s13] =	ssyncadd.s32 $0xFFFF9800  }
0x4a: {  	_ =	swait.ge [sflag:s15], $0x6800  }
0x4b: {  	s28 =	sadd.s32 $0xFFFFFFFF, s28;
	[sflag:s15] =	ssyncset.done $0x0  }
.LBB2_1:
0x4c: {  	p0 =	sne.s32 s28, $0x1;
	s28 =	sadd.s32 $0xFFFFFFFF, s28;
	[sflag:s15] =	ssyncadd.s32 $0xFFFF9800  }
0x4d: {  	[tilespmem:s2], [sflag:$0x5] =	stream.linear.gather [hbm4b:s3+s2], $0x3400, $0x38;
	[tilespmem:$0x10400] =	vst v63  }
0x4e: {  	_ =	swait.ge [sflag:s4], $0x3400  }
0x4f: {  	[sflag:s4] =	ssyncset.done $0x0  }
0x50: {  	[sflag:s4] =	ssyncadd.s32 $0xFFFFCC00  }
0x51: {  	[tilespmem:s7], [sflag:$0x1] =	stream.indirect.gather [hbm4b:s5+s6], $0x10, s2, s6, $0xb8;
	[tilespmem:$0x10400] =	vst v63  }
0x52: {  	_ =	swait.ge [sflag:s8], $0x6800  }
0x53: {  	[sflag:s8] =	ssyncset.done $0x0  }
0x54: {  	[sflag:s8] =	ssyncadd.s32 $0xFFFF9800  }
0x55: {  	[hbm4b:s9+s2] =	stream.linear.scatter [tilespmem:s7], [sflag:$0x3], $0x6800, $0x38;
	[tilespmem:$0x10400] =	vst v63  }
0x56: {  	_ = 	snop  }
0x57: {  	[tilespmem:s10], [sflag:$0x2] =	stream.indirect.gather [hbm4b:s5+s6], $0x10, s6, s6, $0xb8;
	[tilespmem:$0x10400] =	vst v63  }
0x58: {  	_ =	swait.ge [sflag:s11], $0x6800  }
0x59: {  	[sflag:s11] =	ssyncset.done $0x0  }
0x5a: {  	[sflag:s11] =	ssyncadd.s32 $0xFFFF9800  }
0x5b: {  	[hbm4b:s12+s2] =	stream.linear.scatter [tilespmem:s10], [sflag:$0x4], $0x6800, $0x38;
	[tilespmem:$0x10400] =	vst v63  }
0x5c: {  	_ =	swait.ge [sflag:s13], $0x6800  }
0x5d: {  	[sflag:s13] =	ssyncset.done $0x0  }
0x5e: {  	[sflag:s13] =	ssyncadd.s32 $0xFFFF9800  }
0x5f: {  	[tilespmem:s7], [sflag:$0x1] =	stream.indirect.gather [hbm4b:s5+s6], $0x10, s14, s6, $0xb8;
	[tilespmem:$0x10400] =	vst v63  }
0x60: {  	_ =	swait.ge [sflag:s8], $0x6800  }
0x61: {  	[sflag:s8] =	ssyncset.done $0x0  }
0x62: {  	[sflag:s8] =	ssyncadd.s32 $0xFFFF9800  }
0x63: {  	[hbm4b:s16+s2] =	stream.linear.scatter [tilespmem:s7], [sflag:$0x3], $0x6800, $0x38;
	[tilespmem:$0x10400] =	vst v63  }
0x64: {  	_ =	swait.ge [sflag:s15], $0x6800  }
0x65: {  	[sflag:s15] =	ssyncset.done $0x0  }
0x66: {  	[sflag:s15] =	ssyncadd.s32 $0xFFFF9800  }
0x67: {  	[tilespmem:s10], [sflag:$0x2] =	stream.indirect.gather [hbm4b:s5+s6], $0x10, s17, s6, $0xb8;
	[tilespmem:$0x10400] =	vst v63  }
0x68: {  	_ =	swait.ge [sflag:s11], $0x6800  }
0x69: {  	[sflag:s11] =	ssyncset.done $0x0  }
0x6a: {  	[sflag:s11] =	ssyncadd.s32 $0xFFFF9800  }
0x6b: {  	[hbm4b:s18+s2] =	stream.linear.scatter [tilespmem:s10], [sflag:$0x4], $0x6800, $0x38;
	[tilespmem:$0x10400] =	vst v63  }
0x6c: {  	_ =	swait.ge [sflag:s13], $0x6800  }
0x6d: {  	[sflag:s13] =	ssyncset.done $0x0  }
0x6e: {  	[sflag:s13] =	ssyncadd.s32 $0xFFFF9800  }
0x6f: {  	[tilespmem:s7], [sflag:$0x1] =	stream.indirect.gather [hbm4b:s5+s6], $0x10, s19, s6, $0xb8;
	[tilespmem:$0x10400] =	vst v63  }
0x70: {  	_ =	swait.ge [sflag:s8], $0x6800  }
0x71: {  	[sflag:s8] =	ssyncset.done $0x0  }
0x72: {  	[sflag:s8] =	ssyncadd.s32 $0xFFFF9800  }
0x73: {  	[hbm4b:s20+s2] =	stream.linear.scatter [tilespmem:s7], [sflag:$0x3], $0x6800, $0x38;
	[tilespmem:$0x10400] =	vst v63  }
0x74: {  	_ =	swait.ge [sflag:s15], $0x6800  }
0x75: {  	[sflag:s15] =	ssyncset.done $0x0  }
0x76: {  	[sflag:s15] =	ssyncadd.s32 $0xFFFF9800  }
0x77: {  	[tilespmem:s10], [sflag:$0x2] =	stream.indirect.gather [hbm4b:s5+s6], $0x10, s21, s6, $0xb8;
	[tilespmem:$0x10400] =	vst v63  }
0x78: {  	_ =	swait.ge [sflag:s11], $0x6800  }
0x79: {  	[sflag:s11] =	ssyncset.done $0x0  }
0x7a: {  	[sflag:s11] =	ssyncadd.s32 $0xFFFF9800  }
0x7b: {  	[hbm4b:s22+s2] =	stream.linear.scatter [tilespmem:s10], [sflag:$0x4], $0x6800, $0x38;
	[tilespmem:$0x10400] =	vst v63  }
0x7c: {  	_ =	swait.ge [sflag:s13], $0x6800  }
0x7d: {  	[sflag:s13] =	ssyncset.done $0x0  }
0x7e: {  	[sflag:s13] =	ssyncadd.s32 $0xFFFF9800  }
0x7f: {  	[tilespmem:s7], [sflag:$0x1] =	stream.indirect.gather [hbm4b:s5+s6], $0x10, s23, s6, $0xb8;
	[tilespmem:$0x10400] =	vst v63  }
0x80: {  	_ =	swait.ge [sflag:s8], $0x6800  }
0x81: {  	[sflag:s8] =	ssyncset.done $0x0  }
0x82: {  	[sflag:s8] =	ssyncadd.s32 $0xFFFF9800  }
0x83: {  	[hbm4b:s24+s2] =	stream.linear.scatter [tilespmem:s7], [sflag:$0x3], $0x6800, $0x38;
	[tilespmem:$0x10400] =	vst v63  }
0x84: {  	_ =	swait.ge [sflag:s15], $0x6800  }
0x85: {  	[sflag:s15] =	ssyncset.done $0x0  }
0x86: {  	[sflag:s15] =	ssyncadd.s32 $0xFFFF9800  }
0x87: {  	[tilespmem:s10], [sflag:$0x2] =	stream.indirect.gather [hbm4b:s5+s6], $0x10, s25, s6, $0xb8;
	[tilespmem:$0x10400] =	vst v63  }
0x88: {  	_ =	swait.ge [sflag:s11], $0x6800  }
0x89: {  	[sflag:s11] =	ssyncset.done $0x0  }
0x8a: {  	[sflag:s11] =	ssyncadd.s32 $0xFFFF9800  }
0x8b: {  	[hbm4b:s26+s2] =	stream.linear.scatter [tilespmem:s10], [sflag:$0x4], $0x6800, $0x38;
	[tilespmem:$0x10400] =	vst v63  }
.Ltmp1:
0x8c: {  	_ =	swait.ge [sflag:s13], $0x6800;
	(pc) =	sbr.rel @p0 .LBB2_1-.Ltmp1, $4  }
0x8d: {  	[sflag:s13] =	ssyncset.done $0x0  }
0x8e: {  	[sflag:s13] =	ssyncadd.s32 $0xFFFF9800  }
0x8f: {  	_ =	swait.ge [sflag:s15], $0x6800  }
0x90: {  	[sflag:s15] =	ssyncset.done $0x0  }
.LBB2_2:
0x91: {  	[sflag:s15] =	ssyncadd.s32 $0xFFFF9800  }
0x92: {  	_ =	sfence.sel $0x180000  }
0x93: {  	[bflag:$0x0] =	sbarrier.arrive $0xFFFF  }
0x94: {  	p0 =	sne.s32 s0, $0x0;
	_ =	strace $0x90000047  }
0x95: {  	s0 =	sadd.s32 @!p0 $0x100000, s1;
	[bflag:$0x2] =	sbarrier.arrive $0xFFFF  }
0x96: {  	[sflag:s0] =	ssyncadd.tile.s32 @!p0 $0x1;
	_ =	shalt  }
.Lfunc_end2:
_tile_overlayer_lowered:
.L_overlay_start_2:
0x97: {  	(tag) =	ssettag $0x2  }
0x98: {  	s0 =	rddreg [dreg:$0x0];
	s2 =	stileid.u32  }
0x99: {  	s1 =	rddreg [dreg:$0x1];
	p0 =	sne.s32 s2, $0x0  }
0x9a: {  	s3 =	rddreg [dreg:$0x2];
	[bflag:$0x3] =	sbarrier.arrive $0xFFFF;
	s2 =	simm.s32 @!p0 $0x1C05  }
0x9b: {  	[timem:s3], [sflag:s2] =	dma.local @!p0 [hbm:s0], s1  }
0x9c: {  	s0 =	simm.s32 @!p0 $0x5  }
0x9d: {  	_ =	swait.ge @!p0 [sflag:s0], s1  }
0x9e: {  	s1 =	ssub.s32 @!p0 $0x0, s1;
	[sflag:s0] =	ssyncset.done @!p0 $0x0  }
0x9f: {  	[sflag:s0] =	ssyncadd.s32 @!p0 s1  }
0xa0: {  	[bflag:$0x3] =	sbarrier.arrive $0xFFFF  }
0xa1: {  	_ =	shalt  }

</sc_bundles>
